<compile_context>
chip_gen: v7x
topology: tpu7x:2x2x1
jax: 0.10.2.dev20260603
libtpu: 0.0.44.dev20260713+nightly
codegen_flags: <defaults>
</compile_context>

<pallas_src>
import functools

import jax
import jax.numpy as jnp
from jax import lax
from jax.experimental import pallas as pl
from jax.experimental.pallas import tpu as pltpu
from jax.experimental.pallas import tpu_sc as plsc

N = 10000
E = 320000
D = 128
H = 256
G = 64
C = 150

NC = 2
NS = 16
NW = NC * NS
CH = 128
RING = 2
CPT = 80
HALF = CPT // 2
PHASE_PAIRS = HALF // RING
EPT = CPT * CH
E_PAD = NW * EPT
SPT = 632
NP = SPT * NS


def _sc_scatter_add_body(x_hbm, edges_hbm, out_hbm, src_v, dst_v,
                         rows0, rows1, agg_sh, gsem0, gsem1, ssem0, ssem1):
    rows_l = [rows0, rows1]
    gsem_l = [gsem0, gsem1]
    ssem_l = [ssem0, ssem1]
    c = lax.axis_index("c")
    s = lax.axis_index("s")
    wid = c * NS + s

    def _zero_body(i, _):
        r = i // (D // 16)
        col = lax.rem(i, D // 16)
        rows0[r, pl.ds(col * 16, 16)] = jnp.zeros((16,), jnp.float32)
        return 0

    lax.fori_loop(0, CH * (D // 16), _zero_body, 0)

    base_row = s * SPT
    n_full = SPT // CH
    rem = SPT - n_full * CH
    for k in range(n_full):
        pltpu.sync_copy(rows0, agg_sh.at[pl.ds(base_row + k * CH, CH)])
    pltpu.sync_copy(rows0.at[pl.ds(0, rem)],
                    agg_sh.at[pl.ds(base_row + n_full * CH, rem)])

    pltpu.sync_copy(edges_hbm.at[0].at[wid].at[pl.ds(0, HALF)], src_v)
    pltpu.sync_copy(edges_hbm.at[1].at[wid].at[pl.ds(0, HALF)], dst_v)
    plsc.subcore_barrier()

    def _wait(src, dst, sem):
        pltpu.make_async_copy(src, dst, sem).wait()

    def _ring_body(jj, _):
        for b in range(RING):
            @pl.when(jj > 0)
            def _():
                _wait(rows_l[b], agg_sh.at[dst_v.at[0]], ssem_l[b])

        @pl.when(jj == PHASE_PAIRS)
        def _():
            pltpu.sync_copy(edges_hbm.at[0].at[wid].at[pl.ds(HALF, HALF)],
                            src_v)
            pltpu.sync_copy(edges_hbm.at[1].at[wid].at[pl.ds(HALF, HALF)],
                            dst_v)

        base = lax.rem(jj, PHASE_PAIRS) * RING
        for b in range(RING):
            pltpu.async_copy(x_hbm.at[src_v.at[base + b]], rows_l[b],
                             gsem_l[b])
        for b in range(RING):
            _wait(x_hbm.at[src_v.at[0]], rows_l[b], gsem_l[b])
            pltpu.async_copy(rows_l[b], agg_sh.at[dst_v.at[base + b]],
                             ssem_l[b], add=True)
        return 0

    lax.fori_loop(0, CPT // RING, _ring_body, 0)
    for b in range(RING):
        _wait(rows_l[b], agg_sh.at[dst_v.at[0]], ssem_l[b])
    plsc.subcore_barrier()

    pltpu.sync_copy(agg_sh.at[pl.ds(base_row, SPT)],
                    out_hbm.at[c].at[pl.ds(base_row, SPT)])


@functools.cache
def _sc_scatter_add():
    mesh = plsc.VectorSubcoreMesh(core_axis_name="c", subcore_axis_name="s",
                                  num_cores=NC, num_subcores=NS)
    return pl.kernel(
        _sc_scatter_add_body,
        out_type=jax.ShapeDtypeStruct((NC, NP, D), jnp.float32),
        mesh=mesh,
        scratch_types=[
            pltpu.VMEM((HALF, CH), jnp.int32),
            pltpu.VMEM((HALF, CH), jnp.int32),
            pltpu.VMEM((CH, D), jnp.float32),
            pltpu.VMEM((CH, D), jnp.float32),
            pltpu.VMEM_SHARED((NP, D), jnp.float32),
            pltpu.SemaphoreType.DMA,
            pltpu.SemaphoreType.DMA,
            pltpu.SemaphoreType.DMA,
            pltpu.SemaphoreType.DMA,
        ],
    )


BN = 1000
NB = N // BN


def _tc_fused_body(x_b, a0_b, a1_b, wg, bg, wc, bc, batch_b, wt_bf, bt, wo_bf,
                   bo, out_b, h_s, gmax_s, z_s):
    p = pl.program_id(0)
    i = pl.program_id(1)

    @pl.when(p == 0)
    def _phase0():
        xs = x_b[...] + a0_b[0] + a1_b[0]
        h = jnp.dot(xs, wg[...], preferred_element_type=jnp.float32) + bg[...]
        h_s[pl.ds(i * BN, BN), :] = h
        xg = jnp.maximum(
            jnp.dot(h, wc[...], preferred_element_type=jnp.float32) + bc[...],
            0.0)

        @pl.when(i == 0)
        def _():
            gmax_s[...] = jnp.zeros_like(gmax_s)

        bcol = batch_b[...]
        gmin = jnp.min(bcol).astype(jnp.int32)
        gmax_id = jnp.max(bcol).astype(jnp.int32)

        def _g_body(g, _):
            mask = bcol == g.astype(jnp.float32)
            m = jnp.max(jnp.where(mask, xg, 0.0), axis=0, keepdims=True)
            gmax_s[pl.ds(g, 1), :] = jnp.maximum(gmax_s[pl.ds(g, 1), :], m)
            return 0

        lax.fori_loop(gmin, gmax_id + 1, _g_body, 0)

    @pl.when(p == 1)
    def _phase1():
        @pl.when(i == 0)
        def _():
            z_s[...] = jnp.dot(gmax_s[...].astype(jnp.bfloat16),
                               wt_bf[pl.ds(H, H), :],
                               preferred_element_type=jnp.float32) + bt[...]

        bcol = batch_b[...]
        onehot = (bcol == lax.broadcasted_iota(jnp.int32, (1, G), 1)
                  .astype(jnp.float32)).astype(jnp.float32)
        zb = jnp.dot(onehot, z_s[...], preferred_element_type=jnp.float32)
        h_b = h_s[pl.ds(i * BN, BN), :]
        t = jnp.maximum(
            jnp.dot(h_b.astype(jnp.bfloat16), wt_bf[pl.ds(0, H), :],
                    preferred_element_type=jnp.float32) + zb, 0.0)
        out_b[...] = jnp.dot(t.astype(jnp.bfloat16), wo_bf[...],
                             preferred_element_type=jnp.float32) + bo[...]


def kernel(x, edge_indices, batch, W_gcn, b_gcn, W_conv, b_conv, W_t, b_t,
           W_out, b_out):
    pad = E_PAD - E
    pad_idx = jnp.arange(pad, dtype=jnp.int32)
    pads2 = jnp.stack([(pad_idx * 131) % N, N + pad_idx % (NP - N)])
    edges4 = jnp.concatenate([edge_indices, pads2],
                             axis=1).reshape(2, NW, CPT, CH)

    agg2 = _sc_scatter_add()(x, edges4)

    batch_col = batch.astype(jnp.float32).reshape(N, 1)

    out = pl.pallas_call(
        _tc_fused_body,
        grid=(2, NB),
        in_specs=[
            pl.BlockSpec((BN, D), lambda p, i: (jnp.where(p == 0, i, 0), 0)),
            pl.BlockSpec((1, BN, D),
                         lambda p, i: (0, jnp.where(p == 0, i, 0), 0)),
            pl.BlockSpec((1, BN, D),
                         lambda p, i: (1, jnp.where(p == 0, i, 0), 0)),
            pl.BlockSpec((D, H), lambda p, i: (0, 0)),
            pl.BlockSpec((1, H), lambda p, i: (0, 0)),
            pl.BlockSpec((H, H), lambda p, i: (0, 0)),
            pl.BlockSpec((1, H), lambda p, i: (0, 0)),
            pl.BlockSpec((BN, 1), lambda p, i: (i, 0)),
            pl.BlockSpec((2 * H, 1024), lambda p, i: (0, 0)),
            pl.BlockSpec((1, 1024), lambda p, i: (0, 0)),
            pl.BlockSpec((1024, C), lambda p, i: (0, 0)),
            pl.BlockSpec((1, C), lambda p, i: (0, 0)),
        ],
        out_specs=pl.BlockSpec((BN, C),
                               lambda p, i: (jnp.where(p == 1, i, 0), 0)),
        out_shape=jax.ShapeDtypeStruct((N, C), jnp.float32),
        scratch_shapes=[
            pltpu.VMEM((N, H), jnp.float32),
            pltpu.VMEM((G, H), jnp.float32),
            pltpu.VMEM((G, 1024), jnp.float32),
        ],
    )(x, agg2, agg2, W_gcn, b_gcn.reshape(1, H), W_conv,
      b_conv.reshape(1, H), batch_col, W_t.astype(jnp.bfloat16),
      b_t.reshape(1, 1024), W_out.astype(jnp.bfloat16), b_out.reshape(1, C))

    return out

# --- scband reference (transcript-rebuilt; emitter-appended) ---
"""Pipeline reference for scband-transfer-model-41867341201735 (READ-ONLY COPY).

The authoritative reference and input builder live on the scoring server;
editing this copy changes nothing except your own understanding.
"""

import jax, jax.numpy as jnp
import numpy as np

N = 10000   # nodes
E = 320000  # edges
D = 128     # input feature dim
H = 256     # hidden dim of the GNN backbone / conv
G = 64      # number of graphs in the batch
C = 150     # output classes


def setup_inputs(seed: int = 0) -> dict:
    key = jax.random.key(seed)
    ks = jax.random.split(key, 12)
    x = jax.random.normal(ks[0], (N, D), dtype=jnp.float32)
    edge_indices = jax.random.randint(ks[1], (2, E), 0, N, dtype=jnp.int32)
    batch = jnp.sort(jax.random.randint(ks[2], (N,), 0, G, dtype=jnp.int32))
    # Learned parameters (res = message-passing conv D->H, conv = 1x1 Conv1d H->H,
    # transform = Linear 2H->1024 + ReLU, out = Linear 1024->150)
    W_gcn = jax.random.normal(ks[3], (D, H), dtype=jnp.float32) / np.sqrt(D)
    b_gcn = jnp.zeros((H,), dtype=jnp.float32)
    W_conv = jax.random.normal(ks[4], (H, H), dtype=jnp.float32) / np.sqrt(H)
    b_conv = jnp.zeros((H,), dtype=jnp.float32)
    W_t = jax.random.normal(ks[5], (2 * H, 1024), dtype=jnp.float32) / np.sqrt(2 * H)
    b_t = jnp.zeros((1024,), dtype=jnp.float32)
    W_out = jax.random.normal(ks[6], (1024, C), dtype=jnp.float32) / np.sqrt(1024)
    b_out = jnp.zeros((C,), dtype=jnp.float32)
    return {
        "x": x, "edge_indices": edge_indices, "batch": batch,
        "W_gcn": W_gcn, "b_gcn": b_gcn,
        "W_conv": W_conv, "b_conv": b_conv,
        "W_t": W_t, "b_t": b_t,
        "W_out": W_out, "b_out": b_out,
    }


def reference(x, edge_indices, batch, W_gcn, b_gcn, W_conv, b_conv, W_t, b_t, W_out, b_out):
    src = edge_indices[0]
    dst = edge_indices[1]
    # res: message passing (gather from src, scatter-add to dst) + linear, with self term
    msgs = jnp.take(x, src, axis=0)
    agg = jax.ops.segment_sum(msgs, dst, num_segments=x.shape[0])
    h = (x + agg) @ W_gcn + b_gcn                      # [N, H]
    # conv: Conv1d over unsqueezed dim (kernel size 1 == pointwise linear), then ReLU + squeeze
    x_global = jnp.maximum(h @ W_conv + b_conv, 0.0)   # [N, H]
    # scatter_max over graph assignment
    gmax = jax.ops.segment_max(x_global, batch, num_segments=G)
    gmax = jnp.maximum(gmax, 0.0)  # torch_scatter fills empty segments with 0
    # gather global features back per node and concat
    x_cat = jnp.concatenate([h, jnp.take(gmax, batch, axis=0)], axis=1)  # [N, 2H]
    t = jnp.maximum(x_cat @ W_t + b_t, 0.0)            # transform (Linear + ReLU)
    return t @ W_out + b_out                           # [N, 150]

if __name__ == "__main__":
    import jax
    _d = setup_inputs()
    print(jax.jit(kernel)(*tuple(_d.values())))

</pallas_src>

<mosaic_0001>
#map = affine_map<(d0, d1) -> (0, 0)>
#map1 = affine_map<(d0, d1) -> (0, 0, 0, 0)>
#map2 = affine_map<(d0, d1) -> (0, 0, 0)>
module attributes {stable_mosaic.version = 14 : i64} {
  func.func @_sc_scatter_add_body(%arg0: i32, %arg1: i32, %arg2: memref<10000x128xf32, #tpu.memory_space<hbm>>, %arg3: memref<2x32x80x128xi32, #tpu.memory_space<hbm>>, %arg4: memref<2x10112x128xf32, #tpu.memory_space<hbm>>, %arg5: memref<40x128xi32, #tpu.memory_space<vmem>>, %arg6: memref<40x128xi32, #tpu.memory_space<vmem>>, %arg7: memref<128x128xf32, #tpu.memory_space<vmem>>, %arg8: memref<128x128xf32, #tpu.memory_space<vmem>>, %arg9: memref<10112x128xf32, #tpu.memory_space<vmem_shared>>, %arg10: memref<!tpu.dma_semaphore, #tpu.memory_space<semaphore_mem>>, %arg11: memref<!tpu.dma_semaphore, #tpu.memory_space<semaphore_mem>>, %arg12: memref<!tpu.dma_semaphore, #tpu.memory_space<semaphore_mem>>, %arg13: memref<!tpu.dma_semaphore, #tpu.memory_space<semaphore_mem>>) attributes {dimension_semantics = [#tpu.dimension_semantics<core_parallel>, #tpu.dimension_semantics<subcore_parallel>], iteration_bounds = array<i64: 2, 16>, scalar_prefetch = 0 : i64, scratch_operands = 9 : i64, tpu.core_type = #tpu.core_type<sc_vector_subcore>, window_params = [{transform_indices = #map}, {transform_indices = #map1}, {transform_indices = #map2}]} {
    %mul3A = arith.constant 16 : i32
    %mul3A_0 = arith.muli %arg0, %mul3A : i32
    %add3A = arith.addi %mul3A_0, %arg1 : i32
    %scan3A = arith.constant 0 : i32
    %scan3A_1 = arith.constant 0 : i32
    %scan3A_2 = arith.constant 1024 : i32
    %scan3A_3 = arith.addi %scan3A_1, %scan3A_2 : i32
    %scan3A_4 = arith.constant 1 : i32
    %scan3A_5 = scf.for %scan3A_41 = %scan3A_1 to %scan3A_3 step %scan3A_4 iter_args(%scan3A_42 = %scan3A) -> (i32)  : i32 {
      %jit3A = arith.constant 8 : i32
      %div3A = arith.divsi %scan3A_41, %jit3A : i32
      %sign3A = arith.constant 0 : i32
      %sign3A_43 = arith.cmpi sgt, %scan3A_41, %sign3A : i32
      %sign3A_44 = arith.extui %sign3A_43 : i1 to i32
      %sign3A_45 = arith.constant 0 : i32
      %sign3A_46 = arith.cmpi slt, %scan3A_41, %sign3A_45 : i32
      %sign3A_47 = arith.extui %sign3A_46 : i1 to i32
      %sign3A_48 = arith.subi %sign3A_44, %sign3A_47 : i32
      %sign3A_49 = arith.constant 0 : i32
      %sign3A_50 = arith.cmpi sgt, %jit3A, %sign3A_49 : i32
      %sign3A_51 = arith.extui %sign3A_50 : i1 to i32
      %sign3A_52 = arith.constant 0 : i32
      %sign3A_53 = arith.cmpi slt, %jit3A, %sign3A_52 : i32
      %sign3A_54 = arith.extui %sign3A_53 : i1 to i32
      %sign3A_55 = arith.subi %sign3A_51, %sign3A_54 : i32
      %ne3A = arith.cmpi ne, %sign3A_48, %sign3A_55 : i32
      %rem3A = arith.remsi %scan3A_41, %jit3A : i32
      %ne3A_56 = arith.constant 0 : i32
      %ne3A_57 = arith.cmpi ne, %rem3A, %ne3A_56 : i32
      %and3A = arith.andi %ne3A, %ne3A_57 : i1
      %sub3A = arith.constant 1 : i32
      %sub3A_58 = arith.subi %div3A, %sub3A : i32
      %select_n3A = arith.select %and3A, %sub3A_58, %div3A : i32
      %rem3A_59 = arith.constant 8 : i32
      %rem3A_60 = arith.remsi %scan3A_41, %rem3A_59 : i32
      %broadcast_in_dim3A = arith.constant 0.000000e+00 : f32
      %broadcast_in_dim3A_61 = vector.broadcast %broadcast_in_dim3A : f32 to vector<16xf32>
      %mul3A_62 = arith.constant 16 : i32
      %mul3A_63 = arith.muli %rem3A_60, %mul3A_62 : i32
      %swap3A = arith.index_cast %select_n3A : i32 to index
      %swap3A_64 = arith.index_cast %mul3A_63 : i32 to index
      %swap3A_65 = tpu.vector_load %arg7[%swap3A, %swap3A_64] {strides = array<i32>} : memref<128x128xf32, #tpu.memory_space<vmem>>, vector<1x16xf32>,
      %swap3A_66 = vector.shape_cast %swap3A_65 : vector<1x16xf32> to vector<16xf32>
      %swap3A_67 = vector.shape_cast %broadcast_in_dim3A_61 : vector<16xf32> to vector<1x16xf32>
      tpu.vector_store %arg7[%swap3A, %swap3A_64], %swap3A_67 {strides = array<i32>} : memref<128x128xf32, #tpu.memory_space<vmem>>, vector<1x16xf32>,
      %scan3A_68 = arith.constant 0 : i32
      scf.yield %scan3A_68 : i32
    }
    %scan3A_6 = arith.constant 1024 : i32
    %mul3A_7 = arith.constant 632 : i32
    %mul3A_8 = arith.muli %arg1, %mul3A_7 : i32
    %add3A_9 = arith.constant 0 : i32
    %add3A_10 = arith.addi %mul3A_8, %add3A_9 : i32
    "tpu.region"() ({
      %run_scoped3A_41 = tpu.sem_alloc : memref<!tpu.dma_semaphore, #tpu.memory_space<semaphore_mem>>
      %dma_start3A = arith.constant 0 : i32
      %dma_start3A_42 = tpu.memref_slice %arg9[%add3A_10, %dma_start3A] : memref<10112x128xf32, #tpu.memory_space<vmem_shared>> -> memref<128x128xf32, #tpu.memory_space<vmem_shared>>
      %dma_start3A_43 = arith.constant 0 : i32
      %dma_start3A_44 = tpu.memref_slice %arg9[%add3A_10, %dma_start3A_43] : memref<10112x128xf32, #tpu.memory_space<vmem_shared>> -> memref<128x128xf32, #tpu.memory_space<vmem_shared>>
      tpu.enqueue_dma source(%arg7 : memref<128x128xf32, #tpu.memory_space<vmem>>) target(%dma_start3A_44 : memref<128x128xf32, #tpu.memory_space<vmem_shared>>) target_semaphore(%run_scoped3A_41 : memref<!tpu.dma_semaphore, #tpu.memory_space<semaphore_mem>>)
      %dma_wait3A_45 = arith.constant 0 : i32
      %dma_wait3A_46 = tpu.memref_slice %arg9[%add3A_10, %dma_wait3A_45] : memref<10112x128xf32, #tpu.memory_space<vmem_shared>> -> memref<128x128xf32, #tpu.memory_space<vmem_shared>>
      %dma_wait3A_47 = arith.constant 0 : i32
      %dma_wait3A_48 = tpu.memref_slice %arg9[%add3A_10, %dma_wait3A_47] : memref<10112x128xf32, #tpu.memory_space<vmem_shared>> -> memref<128x128xf32, #tpu.memory_space<vmem_shared>>
      tpu.wait_dma2 semaphore(%run_scoped3A_41 : memref<!tpu.dma_semaphore, #tpu.memory_space<semaphore_mem>>) src(%arg7 : memref<128x128xf32, #tpu.memory_space<vmem>>) dst(%dma_wait3A_48 : memref<128x128xf32, #tpu.memory_space<vmem_shared>>)
      tpu.yield
    }) : () -> ()
    %add3A_11 = arith.constant 128 : i32
    %add3A_12 = arith.addi %mul3A_8, %add3A_11 : i32
    "tpu.region"() ({
      %run_scoped3A_41 = tpu.sem_alloc : memref<!tpu.dma_semaphore, #tpu.memory_space<semaphore_mem>>
      %dma_start3A = arith.constant 0 : i32
      %dma_start3A_42 = tpu.memref_slice %arg9[%add3A_12, %dma_start3A] : memref<10112x128xf32, #tpu.memory_space<vmem_shared>> -> memref<128x128xf32, #tpu.memory_space<vmem_shared>>
      %dma_start3A_43 = arith.constant 0 : i32
      %dma_start3A_44 = tpu.memref_slice %arg9[%add3A_12, %dma_start3A_43] : memref<10112x128xf32, #tpu.memory_space<vmem_shared>> -> memref<128x128xf32, #tpu.memory_space<vmem_shared>>
      tpu.enqueue_dma source(%arg7 : memref<128x128xf32, #tpu.memory_space<vmem>>) target(%dma_start3A_44 : memref<128x128xf32, #tpu.memory_space<vmem_shared>>) target_semaphore(%run_scoped3A_41 : memref<!tpu.dma_semaphore, #tpu.memory_space<semaphore_mem>>)
      %dma_wait3A_45 = arith.constant 0 : i32
      %dma_wait3A_46 = tpu.memref_slice %arg9[%add3A_12, %dma_wait3A_45] : memref<10112x128xf32, #tpu.memory_space<vmem_shared>> -> memref<128x128xf32, #tpu.memory_space<vmem_shared>>
      %dma_wait3A_47 = arith.constant 0 : i32
      %dma_wait3A_48 = tpu.memref_slice %arg9[%add3A_12, %dma_wait3A_47] : memref<10112x128xf32, #tpu.memory_space<vmem_shared>> -> memref<128x128xf32, #tpu.memory_space<vmem_shared>>
      tpu.wait_dma2 semaphore(%run_scoped3A_41 : memref<!tpu.dma_semaphore, #tpu.memory_space<semaphore_mem>>) src(%arg7 : memref<128x128xf32, #tpu.memory_space<vmem>>) dst(%dma_wait3A_48 : memref<128x128xf32, #tpu.memory_space<vmem_shared>>)
      tpu.yield
    }) : () -> ()
    %add3A_13 = arith.constant 256 : i32
    %add3A_14 = arith.addi %mul3A_8, %add3A_13 : i32
    "tpu.region"() ({
      %run_scoped3A_41 = tpu.sem_alloc : memref<!tpu.dma_semaphore, #tpu.memory_space<semaphore_mem>>
      %dma_start3A = arith.constant 0 : i32
      %dma_start3A_42 = tpu.memref_slice %arg9[%add3A_14, %dma_start3A] : memref<10112x128xf32, #tpu.memory_space<vmem_shared>> -> memref<128x128xf32, #tpu.memory_space<vmem_shared>>
      %dma_start3A_43 = arith.constant 0 : i32
      %dma_start3A_44 = tpu.memref_slice %arg9[%add3A_14, %dma_start3A_43] : memref<10112x128xf32, #tpu.memory_space<vmem_shared>> -> memref<128x128xf32, #tpu.memory_space<vmem_shared>>
      tpu.enqueue_dma source(%arg7 : memref<128x128xf32, #tpu.memory_space<vmem>>) target(%dma_start3A_44 : memref<128x128xf32, #tpu.memory_space<vmem_shared>>) target_semaphore(%run_scoped3A_41 : memref<!tpu.dma_semaphore, #tpu.memory_space<semaphore_mem>>)
      %dma_wait3A_45 = arith.constant 0 : i32
      %dma_wait3A_46 = tpu.memref_slice %arg9[%add3A_14, %dma_wait3A_45] : memref<10112x128xf32, #tpu.memory_space<vmem_shared>> -> memref<128x128xf32, #tpu.memory_space<vmem_shared>>
      %dma_wait3A_47 = arith.constant 0 : i32
      %dma_wait3A_48 = tpu.memref_slice %arg9[%add3A_14, %dma_wait3A_47] : memref<10112x128xf32, #tpu.memory_space<vmem_shared>> -> memref<128x128xf32, #tpu.memory_space<vmem_shared>>
      tpu.wait_dma2 semaphore(%run_scoped3A_41 : memref<!tpu.dma_semaphore, #tpu.memory_space<semaphore_mem>>) src(%arg7 : memref<128x128xf32, #tpu.memory_space<vmem>>) dst(%dma_wait3A_48 : memref<128x128xf32, #tpu.memory_space<vmem_shared>>)
      tpu.yield
    }) : () -> ()
    %add3A_15 = arith.constant 384 : i32
    %add3A_16 = arith.addi %mul3A_8, %add3A_15 : i32
    "tpu.region"() ({
      %run_scoped3A_41 = tpu.sem_alloc : memref<!tpu.dma_semaphore, #tpu.memory_space<semaphore_mem>>
      %dma_start3A = arith.constant 0 : i32
      %dma_start3A_42 = tpu.memref_slice %arg9[%add3A_16, %dma_start3A] : memref<10112x128xf32, #tpu.memory_space<vmem_shared>> -> memref<128x128xf32, #tpu.memory_space<vmem_shared>>
      %dma_start3A_43 = arith.constant 0 : i32
      %dma_start3A_44 = tpu.memref_slice %arg9[%add3A_16, %dma_start3A_43] : memref<10112x128xf32, #tpu.memory_space<vmem_shared>> -> memref<128x128xf32, #tpu.memory_space<vmem_shared>>
      tpu.enqueue_dma source(%arg7 : memref<128x128xf32, #tpu.memory_space<vmem>>) target(%dma_start3A_44 : memref<128x128xf32, #tpu.memory_space<vmem_shared>>) target_semaphore(%run_scoped3A_41 : memref<!tpu.dma_semaphore, #tpu.memory_space<semaphore_mem>>)
      %dma_wait3A_45 = arith.constant 0 : i32
      %dma_wait3A_46 = tpu.memref_slice %arg9[%add3A_16, %dma_wait3A_45] : memref<10112x128xf32, #tpu.memory_space<vmem_shared>> -> memref<128x128xf32, #tpu.memory_space<vmem_shared>>
      %dma_wait3A_47 = arith.constant 0 : i32
      %dma_wait3A_48 = tpu.memref_slice %arg9[%add3A_16, %dma_wait3A_47] : memref<10112x128xf32, #tpu.memory_space<vmem_shared>> -> memref<128x128xf32, #tpu.memory_space<vmem_shared>>
      tpu.wait_dma2 semaphore(%run_scoped3A_41 : memref<!tpu.dma_semaphore, #tpu.memory_space<semaphore_mem>>) src(%arg7 : memref<128x128xf32, #tpu.memory_space<vmem>>) dst(%dma_wait3A_48 : memref<128x128xf32, #tpu.memory_space<vmem_shared>>)
      tpu.yield
    }) : () -> ()
    %add3A_17 = arith.constant 512 : i32
    %add3A_18 = arith.addi %mul3A_8, %add3A_17 : i32
    "tpu.region"() ({
      %run_scoped3A_41 = tpu.sem_alloc : memref<!tpu.dma_semaphore, #tpu.memory_space<semaphore_mem>>
      %dma_start3A = arith.constant 0 : i32
      %dma_start3A_42 = arith.constant 0 : i32
      %dma_start3A_43 = tpu.memref_slice %arg7[%dma_start3A, %dma_start3A_42] : memref<128x128xf32, #tpu.memory_space<vmem>> -> memref<120x128xf32, #tpu.memory_space<vmem>>
      %dma_start3A_44 = arith.constant 0 : i32
      %dma_start3A_45 = tpu.memref_slice %arg9[%add3A_18, %dma_start3A_44] : memref<10112x128xf32, #tpu.memory_space<vmem_shared>> -> memref<120x128xf32, #tpu.memory_space<vmem_shared>>
      %dma_start3A_46 = arith.constant 0 : i32
      %dma_start3A_47 = tpu.memref_slice %arg9[%add3A_18, %dma_start3A_46] : memref<10112x128xf32, #tpu.memory_space<vmem_shared>> -> memref<120x128xf32, #tpu.memory_space<vmem_shared>>
      %dma_start3A_48 = arith.constant 0 : i32
      %dma_start3A_49 = arith.constant 0 : i32
      %dma_start3A_50 = tpu.memref_slice %arg7[%dma_start3A_48, %dma_start3A_49] : memref<128x128xf32, #tpu.memory_space<vmem>> -> memref<120x128xf32, #tpu.memory_space<vmem>>
      tpu.enqueue_dma source(%dma_start3A_50 : memref<120x128xf32, #tpu.memory_space<vmem>>) target(%dma_start3A_47 : memref<120x128xf32, #tpu.memory_space<vmem_shared>>) target_semaphore(%run_scoped3A_41 : memref<!tpu.dma_semaphore, #tpu.memory_space<semaphore_mem>>)
      %dma_wait3A_51 = arith.constant 0 : i32
      %dma_wait3A_52 = arith.constant 0 : i32
      %dma_wait3A_53 = tpu.memref_slice %arg7[%dma_wait3A_51, %dma_wait3A_52] : memref<128x128xf32, #tpu.memory_space<vmem>> -> memref<120x128xf32, #tpu.memory_space<vmem>>
      %dma_wait3A_54 = arith.constant 0 : i32
      %dma_wait3A_55 = tpu.memref_slice %arg9[%add3A_18, %dma_wait3A_54] : memref<10112x128xf32, #tpu.memory_space<vmem_shared>> -> memref<120x128xf32, #tpu.memory_space<vmem_shared>>
      %dma_wait3A_56 = arith.constant 0 : i32
      %dma_wait3A_57 = tpu.memref_slice %arg9[%add3A_18, %dma_wait3A_56] : memref<10112x128xf32, #tpu.memory_space<vmem_shared>> -> memref<120x128xf32, #tpu.memory_space<vmem_shared>>
      %dma_wait3A_58 = arith.constant 0 : i32
      %dma_wait3A_59 = arith.constant 0 : i32
      %dma_wait3A_60 = tpu.memref_slice %arg7[%dma_wait3A_58, %dma_wait3A_59] : memref<128x128xf32, #tpu.memory_space<vmem>> -> memref<120x128xf32, #tpu.memory_space<vmem>>
      tpu.wait_dma2 semaphore(%run_scoped3A_41 : memref<!tpu.dma_semaphore, #tpu.memory_space<semaphore_mem>>) src(%dma_wait3A_60 : memref<120x128xf32, #tpu.memory_space<vmem>>) dst(%dma_wait3A_57 : memref<120x128xf32, #tpu.memory_space<vmem_shared>>)
      tpu.yield
    }) : () -> ()
    %run_scoped3A = arith.constant 0 : i32
    "tpu.region"() ({
      %run_scoped3A_41 = tpu.sem_alloc : memref<!tpu.dma_semaphore, #tpu.memory_space<semaphore_mem>>
      %dma_start3A = arith.constant 0 : i32
      %dma_start3A_42 = arith.constant 0 : i32
      %dma_start3A_43 = arith.constant 0 : i32
      %dma_start3A_44 = tpu.memref_slice %arg3[%run_scoped3A, %dma_start3A, %dma_start3A_42, %dma_start3A_43] : memref<2x32x80x128xi32, #tpu.memory_space<hbm>> -> memref<1x32x80x128xi32, #tpu.memory_space<hbm>>
      %dma_start3A_45 = tpu.memref_squeeze %dma_start3A_44 : memref<1x32x80x128xi32, #tpu.memory_space<hbm>> -> memref<32x80x128xi32, #tpu.memory_space<hbm>>
      %dma_start3A_46 = arith.constant 0 : i32
      %dma_start3A_47 = arith.constant 0 : i32
      %dma_start3A_48 = tpu.memref_slice %dma_start3A_45[%add3A, %dma_start3A_46, %dma_start3A_47] : memref<32x80x128xi32, #tpu.memory_space<hbm>> -> memref<1x80x128xi32, #tpu.memory_space<hbm>>
      %dma_start3A_49 = tpu.memref_squeeze %dma_start3A_48 : memref<1x80x128xi32, #tpu.memory_space<hbm>> -> memref<80x128xi32, #tpu.memory_space<hbm>>
      %dma_start3A_50 = arith.constant 0 : i32
      %dma_start3A_51 = arith.constant 0 : i32
      %dma_start3A_52 = tpu.memref_slice %dma_start3A_49[%dma_start3A_50, %dma_start3A_51] : memref<80x128xi32, #tpu.memory_space<hbm>> -> memref<40x128xi32, #tpu.memory_space<hbm>>
      %dma_start3A_53 = arith.constant 0 : i32
      %dma_start3A_54 = arith.constant 0 : i32
      %dma_start3A_55 = arith.constant 0 : i32
      %dma_start3A_56 = tpu.memref_slice %arg3[%run_scoped3A, %dma_start3A_53, %dma_start3A_54, %dma_start3A_55] : memref<2x32x80x128xi32, #tpu.memory_space<hbm>> -> memref<1x32x80x128xi32, #tpu.memory_space<hbm>>
      %dma_start3A_57 = tpu.memref_squeeze %dma_start3A_56 : memref<1x32x80x128xi32, #tpu.memory_space<hbm>> -> memref<32x80x128xi32, #tpu.memory_space<hbm>>
      %dma_start3A_58 = arith.constant 0 : i32
      %dma_start3A_59 = arith.constant 0 : i32
      %dma_start3A_60 = tpu.memref_slice %dma_start3A_57[%add3A, %dma_start3A_58, %dma_start3A_59] : memref<32x80x128xi32, #tpu.memory_space<hbm>> -> memref<1x80x128xi32, #tpu.memory_space<hbm>>
      %dma_start3A_61 = tpu.memref_squeeze %dma_start3A_60 : memref<1x80x128xi32, #tpu.memory_space<hbm>> -> memref<80x128xi32, #tpu.memory_space<hbm>>
      %dma_start3A_62 = arith.constant 0 : i32
      %dma_start3A_63 = arith.constant 0 : i32
      %dma_start3A_64 = tpu.memref_slice %dma_start3A_61[%dma_start3A_62, %dma_start3A_63] : memref<80x128xi32, #tpu.memory_space<hbm>> -> memref<40x128xi32, #tpu.memory_space<hbm>>
      tpu.enqueue_dma source(%dma_start3A_64 : memref<40x128xi32, #tpu.memory_space<hbm>>) target(%arg5 : memref<40x128xi32, #tpu.memory_space<vmem>>) target_semaphore(%run_scoped3A_41 : memref<!tpu.dma_semaphore, #tpu.memory_space<semaphore_mem>>)
      %dma_wait3A_65 = arith.constant 0 : i32
      %dma_wait3A_66 = arith.constant 0 : i32
      %dma_wait3A_67 = arith.constant 0 : i32
      %dma_wait3A_68 = tpu.memref_slice %arg3[%run_scoped3A, %dma_wait3A_65, %dma_wait3A_66, %dma_wait3A_67] : memref<2x32x80x128xi32, #tpu.memory_space<hbm>> -> memref<1x32x80x128xi32, #tpu.memory_space<hbm>>
      %dma_wait3A_69 = tpu.memref_squeeze %dma_wait3A_68 : memref<1x32x80x128xi32, #tpu.memory_space<hbm>> -> memref<32x80x128xi32, #tpu.memory_space<hbm>>
      %dma_wait3A_70 = arith.constant 0 : i32
      %dma_wait3A_71 = arith.constant 0 : i32
      %dma_wait3A_72 = tpu.memref_slice %dma_wait3A_69[%add3A, %dma_wait3A_70, %dma_wait3A_71] : memref<32x80x128xi32, #tpu.memory_space<hbm>> -> memref<1x80x128xi32, #tpu.memory_space<hbm>>
      %dma_wait3A_73 = tpu.memref_squeeze %dma_wait3A_72 : memref<1x80x128xi32, #tpu.memory_space<hbm>> -> memref<80x128xi32, #tpu.memory_space<hbm>>
      %dma_wait3A_74 = arith.constant 0 : i32
      %dma_wait3A_75 = arith.constant 0 : i32
      %dma_wait3A_76 = tpu.memref_slice %dma_wait3A_73[%dma_wait3A_74, %dma_wait3A_75] : memref<80x128xi32, #tpu.memory_space<hbm>> -> memref<40x128xi32, #tpu.memory_space<hbm>>
      %dma_wait3A_77 = arith.constant 0 : i32
      %dma_wait3A_78 = arith.constant 0 : i32
      %dma_wait3A_79 = arith.constant 0 : i32
      %dma_wait3A_80 = tpu.memref_slice %arg3[%run_scoped3A, %dma_wait3A_77, %dma_wait3A_78, %dma_wait3A_79] : memref<2x32x80x128xi32, #tpu.memory_space<hbm>> -> memref<1x32x80x128xi32, #tpu.memory_space<hbm>>
      %dma_wait3A_81 = tpu.memref_squeeze %dma_wait3A_80 : memref<1x32x80x128xi32, #tpu.memory_space<hbm>> -> memref<32x80x128xi32, #tpu.memory_space<hbm>>
      %dma_wait3A_82 = arith.constant 0 : i32
      %dma_wait3A_83 = arith.constant 0 : i32
      %dma_wait3A_84 = tpu.memref_slice %dma_wait3A_81[%add3A, %dma_wait3A_82, %dma_wait3A_83] : memref<32x80x128xi32, #tpu.memory_space<hbm>> -> memref<1x80x128xi32, #tpu.memory_space<hbm>>
      %dma_wait3A_85 = tpu.memref_squeeze %dma_wait3A_84 : memref<1x80x128xi32, #tpu.memory_space<hbm>> -> memref<80x128xi32, #tpu.memory_space<hbm>>
      %dma_wait3A_86 = arith.constant 0 : i32
      %dma_wait3A_87 = arith.constant 0 : i32
      %dma_wait3A_88 = tpu.memref_slice %dma_wait3A_85[%dma_wait3A_86, %dma_wait3A_87] : memref<80x128xi32, #tpu.memory_space<hbm>> -> memref<40x128xi32, #tpu.memory_space<hbm>>
      tpu.wait_dma2 semaphore(%run_scoped3A_41 : memref<!tpu.dma_semaphore, #tpu.memory_space<semaphore_mem>>) src(%dma_wait3A_88 : memref<40x128xi32, #tpu.memory_space<hbm>>) dst(%arg5 : memref<40x128xi32, #tpu.memory_space<vmem>>)
      tpu.yield
    }) : () -> ()
    %run_scoped3A_19 = arith.constant 1 : i32
    "tpu.region"() ({
      %run_scoped3A_41 = tpu.sem_alloc : memref<!tpu.dma_semaphore, #tpu.memory_space<semaphore_mem>>
      %dma_start3A = arith.constant 0 : i32
      %dma_start3A_42 = arith.constant 0 : i32
      %dma_start3A_43 = arith.constant 0 : i32
      %dma_start3A_44 = tpu.memref_slice %arg3[%run_scoped3A_19, %dma_start3A, %dma_start3A_42, %dma_start3A_43] : memref<2x32x80x128xi32, #tpu.memory_space<hbm>> -> memref<1x32x80x128xi32, #tpu.memory_space<hbm>>
      %dma_start3A_45 = tpu.memref_squeeze %dma_start3A_44 : memref<1x32x80x128xi32, #tpu.memory_space<hbm>> -> memref<32x80x128xi32, #tpu.memory_space<hbm>>
      %dma_start3A_46 = arith.constant 0 : i32
      %dma_start3A_47 = arith.constant 0 : i32
      %dma_start3A_48 = tpu.memref_slice %dma_start3A_45[%add3A, %dma_start3A_46, %dma_start3A_47] : memref<32x80x128xi32, #tpu.memory_space<hbm>> -> memref<1x80x128xi32, #tpu.memory_space<hbm>>
      %dma_start3A_49 = tpu.memref_squeeze %dma_start3A_48 : memref<1x80x128xi32, #tpu.memory_space<hbm>> -> memref<80x128xi32, #tpu.memory_space<hbm>>
      %dma_start3A_50 = arith.constant 0 : i32
      %dma_start3A_51 = arith.constant 0 : i32
      %dma_start3A_52 = tpu.memref_slice %dma_start3A_49[%dma_start3A_50, %dma_start3A_51] : memref<80x128xi32, #tpu.memory_space<hbm>> -> memref<40x128xi32, #tpu.memory_space<hbm>>
      %dma_start3A_53 = arith.constant 0 : i32
      %dma_start3A_54 = arith.constant 0 : i32
      %dma_start3A_55 = arith.constant 0 : i32
      %dma_start3A_56 = tpu.memref_slice %arg3[%run_scoped3A_19, %dma_start3A_53, %dma_start3A_54, %dma_start3A_55] : memref<2x32x80x128xi32, #tpu.memory_space<hbm>> -> memref<1x32x80x128xi32, #tpu.memory_space<hbm>>
      %dma_start3A_57 = tpu.memref_squeeze %dma_start3A_56 : memref<1x32x80x128xi32, #tpu.memory_space<hbm>> -> memref<32x80x128xi32, #tpu.memory_space<hbm>>
      %dma_start3A_58 = arith.constant 0 : i32
      %dma_start3A_59 = arith.constant 0 : i32
      %dma_start3A_60 = tpu.memref_slice %dma_start3A_57[%add3A, %dma_start3A_58, %dma_start3A_59] : memref<32x80x128xi32, #tpu.memory_space<hbm>> -> memref<1x80x128xi32, #tpu.memory_space<hbm>>
      %dma_start3A_61 = tpu.memref_squeeze %dma_start3A_60 : memref<1x80x128xi32, #tpu.memory_space<hbm>> -> memref<80x128xi32, #tpu.memory_space<hbm>>
      %dma_start3A_62 = arith.constant 0 : i32
      %dma_start3A_63 = arith.constant 0 : i32
      %dma_start3A_64 = tpu.memref_slice %dma_start3A_61[%dma_start3A_62, %dma_start3A_63] : memref<80x128xi32, #tpu.memory_space<hbm>> -> memref<40x128xi32, #tpu.memory_space<hbm>>
      tpu.enqueue_dma source(%dma_start3A_64 : memref<40x128xi32, #tpu.memory_space<hbm>>) target(%arg6 : memref<40x128xi32, #tpu.memory_space<vmem>>) target_semaphore(%run_scoped3A_41 : memref<!tpu.dma_semaphore, #tpu.memory_space<semaphore_mem>>)
      %dma_wait3A_65 = arith.constant 0 : i32
      %dma_wait3A_66 = arith.constant 0 : i32
      %dma_wait3A_67 = arith.constant 0 : i32
      %dma_wait3A_68 = tpu.memref_slice %arg3[%run_scoped3A_19, %dma_wait3A_65, %dma_wait3A_66, %dma_wait3A_67] : memref<2x32x80x128xi32, #tpu.memory_space<hbm>> -> memref<1x32x80x128xi32, #tpu.memory_space<hbm>>
      %dma_wait3A_69 = tpu.memref_squeeze %dma_wait3A_68 : memref<1x32x80x128xi32, #tpu.memory_space<hbm>> -> memref<32x80x128xi32, #tpu.memory_space<hbm>>
      %dma_wait3A_70 = arith.constant 0 : i32
      %dma_wait3A_71 = arith.constant 0 : i32
      %dma_wait3A_72 = tpu.memref_slice %dma_wait3A_69[%add3A, %dma_wait3A_70, %dma_wait3A_71] : memref<32x80x128xi32, #tpu.memory_space<hbm>> -> memref<1x80x128xi32, #tpu.memory_space<hbm>>
      %dma_wait3A_73 = tpu.memref_squeeze %dma_wait3A_72 : memref<1x80x128xi32, #tpu.memory_space<hbm>> -> memref<80x128xi32, #tpu.memory_space<hbm>>
      %dma_wait3A_74 = arith.constant 0 : i32
      %dma_wait3A_75 = arith.constant 0 : i32
      %dma_wait3A_76 = tpu.memref_slice %dma_wait3A_73[%dma_wait3A_74, %dma_wait3A_75] : memref<80x128xi32, #tpu.memory_space<hbm>> -> memref<40x128xi32, #tpu.memory_space<hbm>>
      %dma_wait3A_77 = arith.constant 0 : i32
      %dma_wait3A_78 = arith.constant 0 : i32
      %dma_wait3A_79 = arith.constant 0 : i32
      %dma_wait3A_80 = tpu.memref_slice %arg3[%run_scoped3A_19, %dma_wait3A_77, %dma_wait3A_78, %dma_wait3A_79] : memref<2x32x80x128xi32, #tpu.memory_space<hbm>> -> memref<1x32x80x128xi32, #tpu.memory_space<hbm>>
      %dma_wait3A_81 = tpu.memref_squeeze %dma_wait3A_80 : memref<1x32x80x128xi32, #tpu.memory_space<hbm>> -> memref<32x80x128xi32, #tpu.memory_space<hbm>>
      %dma_wait3A_82 = arith.constant 0 : i32
      %dma_wait3A_83 = arith.constant 0 : i32
      %dma_wait3A_84 = tpu.memref_slice %dma_wait3A_81[%add3A, %dma_wait3A_82, %dma_wait3A_83] : memref<32x80x128xi32, #tpu.memory_space<hbm>> -> memref<1x80x128xi32, #tpu.memory_space<hbm>>
      %dma_wait3A_85 = tpu.memref_squeeze %dma_wait3A_84 : memref<1x80x128xi32, #tpu.memory_space<hbm>> -> memref<80x128xi32, #tpu.memory_space<hbm>>
      %dma_wait3A_86 = arith.constant 0 : i32
      %dma_wait3A_87 = arith.constant 0 : i32
      %dma_wait3A_88 = tpu.memref_slice %dma_wait3A_85[%dma_wait3A_86, %dma_wait3A_87] : memref<80x128xi32, #tpu.memory_space<hbm>> -> memref<40x128xi32, #tpu.memory_space<hbm>>
      tpu.wait_dma2 semaphore(%run_scoped3A_41 : memref<!tpu.dma_semaphore, #tpu.memory_space<semaphore_mem>>) src(%dma_wait3A_88 : memref<40x128xi32, #tpu.memory_space<hbm>>) dst(%arg6 : memref<40x128xi32, #tpu.memory_space<vmem>>)
      tpu.yield
    }) : () -> ()
    %barrier3A = arith.constant 0 : index
    tpu.barrier barrier_id(%barrier3A)
    %scan3A_20 = arith.constant 0 : i32
    %scan3A_21 = arith.constant 0 : i32
    %scan3A_22 = arith.constant 40 : i32
    %scan3A_23 = arith.addi %scan3A_21, %scan3A_22 : i32
    %scan3A_24 = arith.constant 1 : i32
    %scan3A_25 = scf.for %scan3A_41 = %scan3A_21 to %scan3A_23 step %scan3A_24 iter_args(%scan3A_42 = %scan3A_20) -> (i32)  : i32 {
      %gt3A = arith.constant 0 : i32
      %gt3A_43 = arith.cmpi sgt, %scan3A_41, %gt3A : i32
      %convert_element_type3A = arith.extui %gt3A_43 : i1 to i32
      %cond3A = arith.constant 0 : i32
      %cond3A_44 = arith.cmpi ne, %convert_element_type3A, %cond3A : i32
      scf.if %cond3A_44 {
        %dma_wait3A_103 = arith.constant 0 : i32
        %dma_wait3A_104 = arith.constant 0 : i32
        %dma_wait3A_105 = tpu.memref_slice %arg6[%dma_wait3A_103, %dma_wait3A_104] : memref<40x128xi32, #tpu.memory_space<vmem>> -> memref<1x128xi32, #tpu.memory_space<vmem>>
        %dma_wait3A_106 = tpu.memref_squeeze %dma_wait3A_105 : memref<1x128xi32, #tpu.memory_space<vmem>> -> memref<128xi32, #tpu.memory_space<vmem>>
        %dma_wait3A_107 = arith.constant 0 : i32
        %dma_wait3A_108 = arith.constant 0 : i32
        %dma_wait3A_109 = tpu.memref_slice %arg9[%dma_wait3A_107, %dma_wait3A_108] : memref<10112x128xf32, #tpu.memory_space<vmem_shared>> -> memref<10112x128xf32, #tpu.memory_space<vmem_shared>>
        tpu.wait_indirect_dma semaphore(%arg12 : memref<!tpu.dma_semaphore, #tpu.memory_space<semaphore_mem>>) src(%arg7 : memref<128x128xf32, #tpu.memory_space<vmem>>) dst(%dma_wait3A_109 : memref<10112x128xf32, #tpu.memory_space<vmem_shared>>)
      } else {
      }
      %gt3A_45 = arith.constant 0 : i32
      %gt3A_46 = arith.cmpi sgt, %scan3A_41, %gt3A_45 : i32
      %convert_element_type3A_47 = arith.extui %gt3A_46 : i1 to i32
      %cond3A_48 = arith.constant 0 : i32
      %cond3A_49 = arith.cmpi ne, %convert_element_type3A_47, %cond3A_48 : i32
      scf.if %cond3A_49 {
        %dma_wait3A_103 = arith.constant 0 : i32
        %dma_wait3A_104 = arith.constant 0 : i32
        %dma_wait3A_105 = tpu.memref_slice %arg6[%dma_wait3A_103, %dma_wait3A_104] : memref<40x128xi32, #tpu.memory_space<vmem>> -> memref<1x128xi32, #tpu.memory_space<vmem>>
        %dma_wait3A_106 = tpu.memref_squeeze %dma_wait3A_105 : memref<1x128xi32, #tpu.memory_space<vmem>> -> memref<128xi32, #tpu.memory_space<vmem>>
        %dma_wait3A_107 = arith.constant 0 : i32
        %dma_wait3A_108 = arith.constant 0 : i32
        %dma_wait3A_109 = tpu.memref_slice %arg9[%dma_wait3A_107, %dma_wait3A_108] : memref<10112x128xf32, #tpu.memory_space<vmem_shared>> -> memref<10112x128xf32, #tpu.memory_space<vmem_shared>>
        tpu.wait_indirect_dma semaphore(%arg13 : memref<!tpu.dma_semaphore, #tpu.memory_space<semaphore_mem>>) src(%arg8 : memref<128x128xf32, #tpu.memory_space<vmem>>) dst(%dma_wait3A_109 : memref<10112x128xf32, #tpu.memory_space<vmem_shared>>)
      } else {
      }
      %eq3A = arith.constant 20 : i32
      %eq3A_50 = arith.cmpi eq, %scan3A_41, %eq3A : i32
      %convert_element_type3A_51 = arith.extui %eq3A_50 : i1 to i32
      %cond3A_52 = arith.constant 0 : i32
      %cond3A_53 = arith.cmpi ne, %convert_element_type3A_51, %cond3A_52 : i32
      scf.if %cond3A_53 {
        %run_scoped3A_103 = arith.constant 0 : i32
        "tpu.region"() ({
          %run_scoped3A_105 = tpu.sem_alloc : memref<!tpu.dma_semaphore, #tpu.memory_space<semaphore_mem>>
          %dma_start3A_106 = arith.constant 0 : i32
          %dma_start3A_107 = arith.constant 0 : i32
          %dma_start3A_108 = arith.constant 0 : i32
          %dma_start3A_109 = tpu.memref_slice %arg3[%run_scoped3A_103, %dma_start3A_106, %dma_start3A_107, %dma_start3A_108] : memref<2x32x80x128xi32, #tpu.memory_space<hbm>> -> memref<1x32x80x128xi32, #tpu.memory_space<hbm>>
          %dma_start3A_110 = tpu.memref_squeeze %dma_start3A_109 : memref<1x32x80x128xi32, #tpu.memory_space<hbm>> -> memref<32x80x128xi32, #tpu.memory_space<hbm>>
          %dma_start3A_111 = arith.constant 0 : i32
          %dma_start3A_112 = arith.constant 0 : i32
          %dma_start3A_113 = tpu.memref_slice %dma_start3A_110[%add3A, %dma_start3A_111, %dma_start3A_112] : memref<32x80x128xi32, #tpu.memory_space<hbm>> -> memref<1x80x128xi32, #tpu.memory_space<hbm>>
          %dma_start3A_114 = tpu.memref_squeeze %dma_start3A_113 : memref<1x80x128xi32, #tpu.memory_space<hbm>> -> memref<80x128xi32, #tpu.memory_space<hbm>>
          %dma_start3A_115 = arith.constant 40 : i32
          %dma_start3A_116 = arith.constant 0 : i32
          %dma_start3A_117 = tpu.memref_slice %dma_start3A_114[%dma_start3A_115, %dma_start3A_116] : memref<80x128xi32, #tpu.memory_space<hbm>> -> memref<40x128xi32, #tpu.memory_space<hbm>>
          %dma_start3A_118 = arith.constant 0 : i32
          %dma_start3A_119 = arith.constant 0 : i32
          %dma_start3A_120 = arith.constant 0 : i32
          %dma_start3A_121 = tpu.memref_slice %arg3[%run_scoped3A_103, %dma_start3A_118, %dma_start3A_119, %dma_start3A_120] : memref<2x32x80x128xi32, #tpu.memory_space<hbm>> -> memref<1x32x80x128xi32, #tpu.memory_space<hbm>>
          %dma_start3A_122 = tpu.memref_squeeze %dma_start3A_121 : memref<1x32x80x128xi32, #tpu.memory_space<hbm>> -> memref<32x80x128xi32, #tpu.memory_space<hbm>>
          %dma_start3A_123 = arith.constant 0 : i32
          %dma_start3A_124 = arith.constant 0 : i32
          %dma_start3A_125 = tpu.memref_slice %dma_start3A_122[%add3A, %dma_start3A_123, %dma_start3A_124] : memref<32x80x128xi32, #tpu.memory_space<hbm>> -> memref<1x80x128xi32, #tpu.memory_space<hbm>>
          %dma_start3A_126 = tpu.memref_squeeze %dma_start3A_125 : memref<1x80x128xi32, #tpu.memory_space<hbm>> -> memref<80x128xi32, #tpu.memory_space<hbm>>
          %dma_start3A_127 = arith.constant 40 : i32
          %dma_start3A_128 = arith.constant 0 : i32
          %dma_start3A_129 = tpu.memref_slice %dma_start3A_126[%dma_start3A_127, %dma_start3A_128] : memref<80x128xi32, #tpu.memory_space<hbm>> -> memref<40x128xi32, #tpu.memory_space<hbm>>
          tpu.enqueue_dma source(%dma_start3A_129 : memref<40x128xi32, #tpu.memory_space<hbm>>) target(%arg5 : memref<40x128xi32, #tpu.memory_space<vmem>>) target_semaphore(%run_scoped3A_105 : memref<!tpu.dma_semaphore, #tpu.memory_space<semaphore_mem>>)
          %dma_wait3A_130 = arith.constant 0 : i32
          %dma_wait3A_131 = arith.constant 0 : i32
          %dma_wait3A_132 = arith.constant 0 : i32
          %dma_wait3A_133 = tpu.memref_slice %arg3[%run_scoped3A_103, %dma_wait3A_130, %dma_wait3A_131, %dma_wait3A_132] : memref<2x32x80x128xi32, #tpu.memory_space<hbm>> -> memref<1x32x80x128xi32, #tpu.memory_space<hbm>>
          %dma_wait3A_134 = tpu.memref_squeeze %dma_wait3A_133 : memref<1x32x80x128xi32, #tpu.memory_space<hbm>> -> memref<32x80x128xi32, #tpu.memory_space<hbm>>
          %dma_wait3A_135 = arith.constant 0 : i32
          %dma_wait3A_136 = arith.constant 0 : i32
          %dma_wait3A_137 = tpu.memref_slice %dma_wait3A_134[%add3A, %dma_wait3A_135, %dma_wait3A_136] : memref<32x80x128xi32, #tpu.memory_space<hbm>> -> memref<1x80x128xi32, #tpu.memory_space<hbm>>
          %dma_wait3A_138 = tpu.memref_squeeze %dma_wait3A_137 : memref<1x80x128xi32, #tpu.memory_space<hbm>> -> memref<80x128xi32, #tpu.memory_space<hbm>>
          %dma_wait3A_139 = arith.constant 40 : i32
          %dma_wait3A_140 = arith.constant 0 : i32
          %dma_wait3A_141 = tpu.memref_slice %dma_wait3A_138[%dma_wait3A_139, %dma_wait3A_140] : memref<80x128xi32, #tpu.memory_space<hbm>> -> memref<40x128xi32, #tpu.memory_space<hbm>>
          %dma_wait3A_142 = arith.constant 0 : i32
          %dma_wait3A_143 = arith.constant 0 : i32
          %dma_wait3A_144 = arith.constant 0 : i32
          %dma_wait3A_145 = tpu.memref_slice %arg3[%run_scoped3A_103, %dma_wait3A_142, %dma_wait3A_143, %dma_wait3A_144] : memref<2x32x80x128xi32, #tpu.memory_space<hbm>> -> memref<1x32x80x128xi32, #tpu.memory_space<hbm>>
          %dma_wait3A_146 = tpu.memref_squeeze %dma_wait3A_145 : memref<1x32x80x128xi32, #tpu.memory_space<hbm>> -> memref<32x80x128xi32, #tpu.memory_space<hbm>>
          %dma_wait3A_147 = arith.constant 0 : i32
          %dma_wait3A_148 = arith.constant 0 : i32
          %dma_wait3A_149 = tpu.memref_slice %dma_wait3A_146[%add3A, %dma_wait3A_147, %dma_wait3A_148] : memref<32x80x128xi32, #tpu.memory_space<hbm>> -> memref<1x80x128xi32, #tpu.memory_space<hbm>>
          %dma_wait3A_150 = tpu.memref_squeeze %dma_wait3A_149 : memref<1x80x128xi32, #tpu.memory_space<hbm>> -> memref<80x128xi32, #tpu.memory_space<hbm>>
          %dma_wait3A_151 = arith.constant 40 : i32
          %dma_wait3A_152 = arith.constant 0 : i32
          %dma_wait3A_153 = tpu.memref_slice %dma_wait3A_150[%dma_wait3A_151, %dma_wait3A_152] : memref<80x128xi32, #tpu.memory_space<hbm>> -> memref<40x128xi32, #tpu.memory_space<hbm>>
          tpu.wait_dma2 semaphore(%run_scoped3A_105 : memref<!tpu.dma_semaphore, #tpu.memory_space<semaphore_mem>>) src(%dma_wait3A_153 : memref<40x128xi32, #tpu.memory_space<hbm>>) dst(%arg5 : memref<40x128xi32, #tpu.memory_space<vmem>>)
          tpu.yield
        }) : () -> ()
        %run_scoped3A_104 = arith.constant 1 : i32
        "tpu.region"() ({
          %run_scoped3A_105 = tpu.sem_alloc : memref<!tpu.dma_semaphore, #tpu.memory_space<semaphore_mem>>
          %dma_start3A_106 = arith.constant 0 : i32
          %dma_start3A_107 = arith.constant 0 : i32
          %dma_start3A_108 = arith.constant 0 : i32
          %dma_start3A_109 = tpu.memref_slice %arg3[%run_scoped3A_104, %dma_start3A_106, %dma_start3A_107, %dma_start3A_108] : memref<2x32x80x128xi32, #tpu.memory_space<hbm>> -> memref<1x32x80x128xi32, #tpu.memory_space<hbm>>
          %dma_start3A_110 = tpu.memref_squeeze %dma_start3A_109 : memref<1x32x80x128xi32, #tpu.memory_space<hbm>> -> memref<32x80x128xi32, #tpu.memory_space<hbm>>
          %dma_start3A_111 = arith.constant 0 : i32
          %dma_start3A_112 = arith.constant 0 : i32
          %dma_start3A_113 = tpu.memref_slice %dma_start3A_110[%add3A, %dma_start3A_111, %dma_start3A_112] : memref<32x80x128xi32, #tpu.memory_space<hbm>> -> memref<1x80x128xi32, #tpu.memory_space<hbm>>
          %dma_start3A_114 = tpu.memref_squeeze %dma_start3A_113 : memref<1x80x128xi32, #tpu.memory_space<hbm>> -> memref<80x128xi32, #tpu.memory_space<hbm>>
          %dma_start3A_115 = arith.constant 40 : i32
          %dma_start3A_116 = arith.constant 0 : i32
          %dma_start3A_117 = tpu.memref_slice %dma_start3A_114[%dma_start3A_115, %dma_start3A_116] : memref<80x128xi32, #tpu.memory_space<hbm>> -> memref<40x128xi32, #tpu.memory_space<hbm>>
          %dma_start3A_118 = arith.constant 0 : i32
          %dma_start3A_119 = arith.constant 0 : i32
          %dma_start3A_120 = arith.constant 0 : i32
          %dma_start3A_121 = tpu.memref_slice %arg3[%run_scoped3A_104, %dma_start3A_118, %dma_start3A_119, %dma_start3A_120] : memref<2x32x80x128xi32, #tpu.memory_space<hbm>> -> memref<1x32x80x128xi32, #tpu.memory_space<hbm>>
          %dma_start3A_122 = tpu.memref_squeeze %dma_start3A_121 : memref<1x32x80x128xi32, #tpu.memory_space<hbm>> -> memref<32x80x128xi32, #tpu.memory_space<hbm>>
          %dma_start3A_123 = arith.constant 0 : i32
          %dma_start3A_124 = arith.constant 0 : i32
          %dma_start3A_125 = tpu.memref_slice %dma_start3A_122[%add3A, %dma_start3A_123, %dma_start3A_124] : memref<32x80x128xi32, #tpu.memory_space<hbm>> -> memref<1x80x128xi32, #tpu.memory_space<hbm>>
          %dma_start3A_126 = tpu.memref_squeeze %dma_start3A_125 : memref<1x80x128xi32, #tpu.memory_space<hbm>> -> memref<80x128xi32, #tpu.memory_space<hbm>>
          %dma_start3A_127 = arith.constant 40 : i32
          %dma_start3A_128 = arith.constant 0 : i32
          %dma_start3A_129 = tpu.memref_slice %dma_start3A_126[%dma_start3A_127, %dma_start3A_128] : memref<80x128xi32, #tpu.memory_space<hbm>> -> memref<40x128xi32, #tpu.memory_space<hbm>>
          tpu.enqueue_dma source(%dma_start3A_129 : memref<40x128xi32, #tpu.memory_space<hbm>>) target(%arg6 : memref<40x128xi32, #tpu.memory_space<vmem>>) target_semaphore(%run_scoped3A_105 : memref<!tpu.dma_semaphore, #tpu.memory_space<semaphore_mem>>)
          %dma_wait3A_130 = arith.constant 0 : i32
          %dma_wait3A_131 = arith.constant 0 : i32
          %dma_wait3A_132 = arith.constant 0 : i32
          %dma_wait3A_133 = tpu.memref_slice %arg3[%run_scoped3A_104, %dma_wait3A_130, %dma_wait3A_131, %dma_wait3A_132] : memref<2x32x80x128xi32, #tpu.memory_space<hbm>> -> memref<1x32x80x128xi32, #tpu.memory_space<hbm>>
          %dma_wait3A_134 = tpu.memref_squeeze %dma_wait3A_133 : memref<1x32x80x128xi32, #tpu.memory_space<hbm>> -> memref<32x80x128xi32, #tpu.memory_space<hbm>>
          %dma_wait3A_135 = arith.constant 0 : i32
          %dma_wait3A_136 = arith.constant 0 : i32
          %dma_wait3A_137 = tpu.memref_slice %dma_wait3A_134[%add3A, %dma_wait3A_135, %dma_wait3A_136] : memref<32x80x128xi32, #tpu.memory_space<hbm>> -> memref<1x80x128xi32, #tpu.memory_space<hbm>>
          %dma_wait3A_138 = tpu.memref_squeeze %dma_wait3A_137 : memref<1x80x128xi32, #tpu.memory_space<hbm>> -> memref<80x128xi32, #tpu.memory_space<hbm>>
          %dma_wait3A_139 = arith.constant 40 : i32
          %dma_wait3A_140 = arith.constant 0 : i32
          %dma_wait3A_141 = tpu.memref_slice %dma_wait3A_138[%dma_wait3A_139, %dma_wait3A_140] : memref<80x128xi32, #tpu.memory_space<hbm>> -> memref<40x128xi32, #tpu.memory_space<hbm>>
          %dma_wait3A_142 = arith.constant 0 : i32
          %dma_wait3A_143 = arith.constant 0 : i32
          %dma_wait3A_144 = arith.constant 0 : i32
          %dma_wait3A_145 = tpu.memref_slice %arg3[%run_scoped3A_104, %dma_wait3A_142, %dma_wait3A_143, %dma_wait3A_144] : memref<2x32x80x128xi32, #tpu.memory_space<hbm>> -> memref<1x32x80x128xi32, #tpu.memory_space<hbm>>
          %dma_wait3A_146 = tpu.memref_squeeze %dma_wait3A_145 : memref<1x32x80x128xi32, #tpu.memory_space<hbm>> -> memref<32x80x128xi32, #tpu.memory_space<hbm>>
          %dma_wait3A_147 = arith.constant 0 : i32
          %dma_wait3A_148 = arith.constant 0 : i32
          %dma_wait3A_149 = tpu.memref_slice %dma_wait3A_146[%add3A, %dma_wait3A_147, %dma_wait3A_148] : memref<32x80x128xi32, #tpu.memory_space<hbm>> -> memref<1x80x128xi32, #tpu.memory_space<hbm>>
          %dma_wait3A_150 = tpu.memref_squeeze %dma_wait3A_149 : memref<1x80x128xi32, #tpu.memory_space<hbm>> -> memref<80x128xi32, #tpu.memory_space<hbm>>
          %dma_wait3A_151 = arith.constant 40 : i32
          %dma_wait3A_152 = arith.constant 0 : i32
          %dma_wait3A_153 = tpu.memref_slice %dma_wait3A_150[%dma_wait3A_151, %dma_wait3A_152] : memref<80x128xi32, #tpu.memory_space<hbm>> -> memref<40x128xi32, #tpu.memory_space<hbm>>
          tpu.wait_dma2 semaphore(%run_scoped3A_105 : memref<!tpu.dma_semaphore, #tpu.memory_space<semaphore_mem>>) src(%dma_wait3A_153 : memref<40x128xi32, #tpu.memory_space<hbm>>) dst(%arg6 : memref<40x128xi32, #tpu.memory_space<vmem>>)
          tpu.yield
        }) : () -> ()
      } else {
      }
      %rem3A = arith.constant 20 : i32
      %rem3A_54 = arith.remsi %scan3A_41, %rem3A : i32
      %mul3A_55 = arith.constant 2 : i32
      %mul3A_56 = arith.muli %rem3A_54, %mul3A_55 : i32
      %add3A_57 = arith.constant 0 : i32
      %add3A_58 = arith.addi %mul3A_56, %add3A_57 : i32
      %dma_start3A = arith.constant 0 : i32
      %dma_start3A_59 = tpu.memref_slice %arg5[%add3A_58, %dma_start3A] : memref<40x128xi32, #tpu.memory_space<vmem>> -> memref<1x128xi32, #tpu.memory_space<vmem>>
      %dma_start3A_60 = tpu.memref_squeeze %dma_start3A_59 : memref<1x128xi32, #tpu.memory_space<vmem>> -> memref<128xi32, #tpu.memory_space<vmem>>
      %dma_start3A_61 = arith.constant 0 : i32
      %dma_start3A_62 = arith.constant 0 : i32
      %dma_start3A_63 = tpu.memref_slice %arg2[%dma_start3A_61, %dma_start3A_62] : memref<10000x128xf32, #tpu.memory_space<hbm>> -> memref<10000x128xf32, #tpu.memory_space<hbm>>
      tpu.enqueue_indirect_dma source(%dma_start3A_63 : memref<10000x128xf32, #tpu.memory_space<hbm>>) target(%arg7 : memref<128x128xf32, #tpu.memory_space<vmem>>) offsets(%dma_start3A_60 : memref<128xi32, #tpu.memory_space<vmem>>) semaphore(%arg10 : memref<!tpu.dma_semaphore, #tpu.memory_space<semaphore_mem>>)
      %add3A_64 = arith.constant 1 : i32
      %add3A_65 = arith.addi %mul3A_56, %add3A_64 : i32
      %dma_start3A_66 = arith.constant 0 : i32
      %dma_start3A_67 = tpu.memref_slice %arg5[%add3A_65, %dma_start3A_66] : memref<40x128xi32, #tpu.memory_space<vmem>> -> memref<1x128xi32, #tpu.memory_space<vmem>>
      %dma_start3A_68 = tpu.memref_squeeze %dma_start3A_67 : memref<1x128xi32, #tpu.memory_space<vmem>> -> memref<128xi32, #tpu.memory_space<vmem>>
      %dma_start3A_69 = arith.constant 0 : i32
      %dma_start3A_70 = arith.constant 0 : i32
      %dma_start3A_71 = tpu.memref_slice %arg2[%dma_start3A_69, %dma_start3A_70] : memref<10000x128xf32, #tpu.memory_space<hbm>> -> memref<10000x128xf32, #tpu.memory_space<hbm>>
      tpu.enqueue_indirect_dma source(%dma_start3A_71 : memref<10000x128xf32, #tpu.memory_space<hbm>>) target(%arg8 : memref<128x128xf32, #tpu.memory_space<vmem>>) offsets(%dma_start3A_68 : memref<128xi32, #tpu.memory_space<vmem>>) semaphore(%arg11 : memref<!tpu.dma_semaphore, #tpu.memory_space<semaphore_mem>>)
      %dma_wait3A_72 = arith.constant 0 : i32
      %dma_wait3A_73 = arith.constant 0 : i32
      %dma_wait3A_74 = tpu.memref_slice %arg5[%dma_wait3A_72, %dma_wait3A_73] : memref<40x128xi32, #tpu.memory_space<vmem>> -> memref<1x128xi32, #tpu.memory_space<vmem>>
      %dma_wait3A_75 = tpu.memref_squeeze %dma_wait3A_74 : memref<1x128xi32, #tpu.memory_space<vmem>> -> memref<128xi32, #tpu.memory_space<vmem>>
      %dma_wait3A_76 = arith.constant 0 : i32
      %dma_wait3A_77 = arith.constant 0 : i32
      %dma_wait3A_78 = tpu.memref_slice %arg2[%dma_wait3A_76, %dma_wait3A_77] : memref<10000x128xf32, #tpu.memory_space<hbm>> -> memref<10000x128xf32, #tpu.memory_space<hbm>>
      tpu.wait_indirect_dma semaphore(%arg10 : memref<!tpu.dma_semaphore, #tpu.memory_space<semaphore_mem>>) src(%dma_wait3A_78 : memref<10000x128xf32, #tpu.memory_space<hbm>>) dst(%arg7 : memref<128x128xf32, #tpu.memory_space<vmem>>)
      %add3A_79 = arith.constant 0 : i32
      %add3A_80 = arith.addi %mul3A_56, %add3A_79 : i32
      %dma_start3A_81 = arith.constant 0 : i32
      %dma_start3A_82 = tpu.memref_slice %arg6[%add3A_80, %dma_start3A_81] : memref<40x128xi32, #tpu.memory_space<vmem>> -> memref<1x128xi32, #tpu.memory_space<vmem>>
      %dma_start3A_83 = tpu.memref_squeeze %dma_start3A_82 : memref<1x128xi32, #tpu.memory_space<vmem>> -> memref<128xi32, #tpu.memory_space<vmem>>
      %dma_start3A_84 = arith.constant 0 : i32
      %dma_start3A_85 = arith.constant 0 : i32
      %dma_start3A_86 = tpu.memref_slice %arg9[%dma_start3A_84, %dma_start3A_85] : memref<10112x128xf32, #tpu.memory_space<vmem_shared>> -> memref<10112x128xf32, #tpu.memory_space<vmem_shared>>
      tpu.enqueue_indirect_dma source(%arg7 : memref<128x128xf32, #tpu.memory_space<vmem>>) target(%dma_start3A_86 : memref<10112x128xf32, #tpu.memory_space<vmem_shared>>) offsets(%dma_start3A_83 : memref<128xi32, #tpu.memory_space<vmem>>) semaphore(%arg12 : memref<!tpu.dma_semaphore, #tpu.memory_space<semaphore_mem>>) {add = true}
      %dma_wait3A_87 = arith.constant 0 : i32
      %dma_wait3A_88 = arith.constant 0 : i32
      %dma_wait3A_89 = tpu.memref_slice %arg5[%dma_wait3A_87, %dma_wait3A_88] : memref<40x128xi32, #tpu.memory_space<vmem>> -> memref<1x128xi32, #tpu.memory_space<vmem>>
      %dma_wait3A_90 = tpu.memref_squeeze %dma_wait3A_89 : memref<1x128xi32, #tpu.memory_space<vmem>> -> memref<128xi32, #tpu.memory_space<vmem>>
      %dma_wait3A_91 = arith.constant 0 : i32
      %dma_wait3A_92 = arith.constant 0 : i32
      %dma_wait3A_93 = tpu.memref_slice %arg2[%dma_wait3A_91, %dma_wait3A_92] : memref<10000x128xf32, #tpu.memory_space<hbm>> -> memref<10000x128xf32, #tpu.memory_space<hbm>>
      tpu.wait_indirect_dma semaphore(%arg11 : memref<!tpu.dma_semaphore, #tpu.memory_space<semaphore_mem>>) src(%dma_wait3A_93 : memref<10000x128xf32, #tpu.memory_space<hbm>>) dst(%arg8 : memref<128x128xf32, #tpu.memory_space<vmem>>)
      %add3A_94 = arith.constant 1 : i32
      %add3A_95 = arith.addi %mul3A_56, %add3A_94 : i32
      %dma_start3A_96 = arith.constant 0 : i32
      %dma_start3A_97 = tpu.memref_slice %arg6[%add3A_95, %dma_start3A_96] : memref<40x128xi32, #tpu.memory_space<vmem>> -> memref<1x128xi32, #tpu.memory_space<vmem>>
      %dma_start3A_98 = tpu.memref_squeeze %dma_start3A_97 : memref<1x128xi32, #tpu.memory_space<vmem>> -> memref<128xi32, #tpu.memory_space<vmem>>
      %dma_start3A_99 = arith.constant 0 : i32
      %dma_start3A_100 = arith.constant 0 : i32
      %dma_start3A_101 = tpu.memref_slice %arg9[%dma_start3A_99, %dma_start3A_100] : memref<10112x128xf32, #tpu.memory_space<vmem_shared>> -> memref<10112x128xf32, #tpu.memory_space<vmem_shared>>
      tpu.enqueue_indirect_dma source(%arg8 : memref<128x128xf32, #tpu.memory_space<vmem>>) target(%dma_start3A_101 : memref<10112x128xf32, #tpu.memory_space<vmem_shared>>) offsets(%dma_start3A_98 : memref<128xi32, #tpu.memory_space<vmem>>) semaphore(%arg13 : memref<!tpu.dma_semaphore, #tpu.memory_space<semaphore_mem>>) {add = true}
      %scan3A_102 = arith.constant 0 : i32
      scf.yield %scan3A_102 : i32
    }
    %scan3A_26 = arith.constant 40 : i32
    %dma_wait3A = arith.constant 0 : i32
    %dma_wait3A_27 = arith.constant 0 : i32
    %dma_wait3A_28 = tpu.memref_slice %arg6[%dma_wait3A, %dma_wait3A_27] : memref<40x128xi32, #tpu.memory_space<vmem>> -> memref<1x128xi32, #tpu.memory_space<vmem>>
    %dma_wait3A_29 = tpu.memref_squeeze %dma_wait3A_28 : memref<1x128xi32, #tpu.memory_space<vmem>> -> memref<128xi32, #tpu.memory_space<vmem>>
    %dma_wait3A_30 = arith.constant 0 : i32
    %dma_wait3A_31 = arith.constant 0 : i32
    %dma_wait3A_32 = tpu.memref_slice %arg9[%dma_wait3A_30, %dma_wait3A_31] : memref<10112x128xf32, #tpu.memory_space<vmem_shared>> -> memref<10112x128xf32, #tpu.memory_space<vmem_shared>>
    tpu.wait_indirect_dma semaphore(%arg12 : memref<!tpu.dma_semaphore, #tpu.memory_space<semaphore_mem>>) src(%arg7 : memref<128x128xf32, #tpu.memory_space<vmem>>) dst(%dma_wait3A_32 : memref<10112x128xf32, #tpu.memory_space<vmem_shared>>)
    %dma_wait3A_33 = arith.constant 0 : i32
    %dma_wait3A_34 = arith.constant 0 : i32
    %dma_wait3A_35 = tpu.memref_slice %arg6[%dma_wait3A_33, %dma_wait3A_34] : memref<40x128xi32, #tpu.memory_space<vmem>> -> memref<1x128xi32, #tpu.memory_space<vmem>>
    %dma_wait3A_36 = tpu.memref_squeeze %dma_wait3A_35 : memref<1x128xi32, #tpu.memory_space<vmem>> -> memref<128xi32, #tpu.memory_space<vmem>>
    %dma_wait3A_37 = arith.constant 0 : i32
    %dma_wait3A_38 = arith.constant 0 : i32
    %dma_wait3A_39 = tpu.memref_slice %arg9[%dma_wait3A_37, %dma_wait3A_38] : memref<10112x128xf32, #tpu.memory_space<vmem_shared>> -> memref<10112x128xf32, #tpu.memory_space<vmem_shared>>
    tpu.wait_indirect_dma semaphore(%arg13 : memref<!tpu.dma_semaphore, #tpu.memory_space<semaphore_mem>>) src(%arg8 : memref<128x128xf32, #tpu.memory_space<vmem>>) dst(%dma_wait3A_39 : memref<10112x128xf32, #tpu.memory_space<vmem_shared>>)
    %barrier3A_40 = arith.constant 0 : index
    tpu.barrier barrier_id(%barrier3A_40)
    "tpu.region"() ({
      %run_scoped3A_41 = tpu.sem_alloc : memref<!tpu.dma_semaphore, #tpu.memory_space<semaphore_mem>>
      %dma_start3A = arith.constant 0 : i32
      %dma_start3A_42 = arith.constant 0 : i32
      %dma_start3A_43 = tpu.memref_slice %arg4[%arg0, %dma_start3A, %dma_start3A_42] : memref<2x10112x128xf32, #tpu.memory_space<hbm>> -> memref<1x10112x128xf32, #tpu.memory_space<hbm>>
      %dma_start3A_44 = tpu.memref_squeeze %dma_start3A_43 : memref<1x10112x128xf32, #tpu.memory_space<hbm>> -> memref<10112x128xf32, #tpu.memory_space<hbm>>
      %dma_start3A_45 = arith.constant 0 : i32
      %dma_start3A_46 = tpu.memref_slice %dma_start3A_44[%mul3A_8, %dma_start3A_45] : memref<10112x128xf32, #tpu.memory_space<hbm>> -> memref<632x128xf32, #tpu.memory_space<hbm>>
      %dma_start3A_47 = arith.constant 0 : i32
      %dma_start3A_48 = tpu.memref_slice %arg9[%mul3A_8, %dma_start3A_47] : memref<10112x128xf32, #tpu.memory_space<vmem_shared>> -> memref<632x128xf32, #tpu.memory_space<vmem_shared>>
      tpu.enqueue_dma source(%dma_start3A_48 : memref<632x128xf32, #tpu.memory_space<vmem_shared>>) target(%dma_start3A_46 : memref<632x128xf32, #tpu.memory_space<hbm>>) target_semaphore(%run_scoped3A_41 : memref<!tpu.dma_semaphore, #tpu.memory_space<semaphore_mem>>)
      %dma_wait3A_49 = arith.constant 0 : i32
      %dma_wait3A_50 = arith.constant 0 : i32
      %dma_wait3A_51 = tpu.memref_slice %arg4[%arg0, %dma_wait3A_49, %dma_wait3A_50] : memref<2x10112x128xf32, #tpu.memory_space<hbm>> -> memref<1x10112x128xf32, #tpu.memory_space<hbm>>
      %dma_wait3A_52 = tpu.memref_squeeze %dma_wait3A_51 : memref<1x10112x128xf32, #tpu.memory_space<hbm>> -> memref<10112x128xf32, #tpu.memory_space<hbm>>
      %dma_wait3A_53 = arith.constant 0 : i32
      %dma_wait3A_54 = tpu.memref_slice %dma_wait3A_52[%mul3A_8, %dma_wait3A_53] : memref<10112x128xf32, #tpu.memory_space<hbm>> -> memref<632x128xf32, #tpu.memory_space<hbm>>
      %dma_wait3A_55 = arith.constant 0 : i32
      %dma_wait3A_56 = tpu.memref_slice %arg9[%mul3A_8, %dma_wait3A_55] : memref<10112x128xf32, #tpu.memory_space<vmem_shared>> -> memref<632x128xf32, #tpu.memory_space<vmem_shared>>
      tpu.wait_dma2 semaphore(%run_scoped3A_41 : memref<!tpu.dma_semaphore, #tpu.memory_space<semaphore_mem>>) src(%dma_wait3A_56 : memref<632x128xf32, #tpu.memory_space<vmem_shared>>) dst(%dma_wait3A_54 : memref<632x128xf32, #tpu.memory_space<hbm>>)
      tpu.yield
    }) : () -> ()
    return
  }
}

module attributes {stable_mosaic.version = 14 : i64} {
  func.func @_tc_fused_body(%arg0: i32, %arg1: i32, %arg2: memref<1000x128xf32, #tpu.memory_space<vmem>>, %arg3: memref<1x1000x128xf32, #tpu.memory_space<vmem>>, %arg4: memref<1x1000x128xf32, #tpu.memory_space<vmem>>, %arg5: memref<128x256xf32, #tpu.memory_space<vmem>>, %arg6: memref<1x256xf32, #tpu.memory_space<vmem>>, %arg7: memref<256x256xf32, #tpu.memory_space<vmem>>, %arg8: memref<1x256xf32, #tpu.memory_space<vmem>>, %arg9: memref<1000x1xf32, #tpu.memory_space<vmem>>, %arg10: memref<512x1024xbf16, #tpu.memory_space<vmem>>, %arg11: memref<1x1024xf32, #tpu.memory_space<vmem>>, %arg12: memref<1024x150xbf16, #tpu.memory_space<vmem>>, %arg13: memref<1x150xf32, #tpu.memory_space<vmem>>, %arg14: memref<1000x150xf32, #tpu.memory_space<vmem>>, %arg15: memref<10000x256xf32, #tpu.memory_space<vmem>>, %arg16: memref<64x256xf32, #tpu.memory_space<vmem>>, %arg17: memref<64x1024xf32, #tpu.memory_space<vmem>>) attributes {dimension_semantics = [#tpu.dimension_semantics<arbitrary>, #tpu.dimension_semantics<arbitrary>], iteration_bounds = array<i64: 2, 10>, scalar_prefetch = 0 : i64, scratch_operands = 3 : i64, tpu.core_type = #tpu.core_type<tc>, window_params = [{transform_indices = @transform_0, window_bounds = array<i64: 1000, 128>}, {transform_indices = @transform_1, window_bounds = array<i64: 1, 1000, 128>}, {transform_indices = @transform_2, window_bounds = array<i64: 1, 1000, 128>}, {pipeline_mode = #tpu.pipeline_mode<synchronous>, transform_indices = @transform_3, window_bounds = array<i64: 128, 256>}, {pipeline_mode = #tpu.pipeline_mode<synchronous>, transform_indices = @transform_4, window_bounds = array<i64: 1, 256>}, {pipeline_mode = #tpu.pipeline_mode<synchronous>, transform_indices = @transform_5, window_bounds = array<i64: 256, 256>}, {pipeline_mode = #tpu.pipeline_mode<synchronous>, transform_indices = @transform_6, window_bounds = array<i64: 1, 256>}, {transform_indices = @transform_7, window_bounds = array<i64: 1000, 1>}, {pipeline_mode = #tpu.pipeline_mode<synchronous>, transform_indices = @transform_8, window_bounds = array<i64: 512, 1024>}, {pipeline_mode = #tpu.pipeline_mode<synchronous>, transform_indices = @transform_9, window_bounds = array<i64: 1, 1024>}, {pipeline_mode = #tpu.pipeline_mode<synchronous>, transform_indices = @transform_10, window_bounds = array<i64: 1024, 150>}, {pipeline_mode = #tpu.pipeline_mode<synchronous>, transform_indices = @transform_11, window_bounds = array<i64: 1, 150>}, {transform_indices = @transform_12, window_bounds = array<i64: 1000, 150>}]} {
    %eq3A = arith.constant 0 : i32
    %eq3A_0 = arith.cmpi eq, %arg0, %eq3A : i32
    %convert_element_type3A = arith.extui %eq3A_0 : i1 to i32
    %cond3A = arith.constant 0 : i32
    %cond3A_1 = arith.cmpi ne, %convert_element_type3A, %cond3A : i32
    scf.if %cond3A_1 {
      %get3A = arith.constant 0 : index
      %get3A_7 = arith.constant 0 : index
      %get3A_8 = vector.load %arg2[%get3A, %get3A_7] : memref<1000x128xf32, #tpu.memory_space<vmem>>, vector<1000x128xf32>
      %get3A_9 = arith.constant 0 : index
      %get3A_10 = arith.constant 0 : index
      %get3A_11 = arith.constant 0 : index
      %get3A_12 = vector.load %arg3[%get3A_9, %get3A_10, %get3A_11] : memref<1x1000x128xf32, #tpu.memory_space<vmem>>, vector<1x1000x128xf32>
      %get3A_13 = vector.shape_cast %get3A_12 : vector<1x1000x128xf32> to vector<1000x128xf32>
      %add3A = arith.addf %get3A_8, %get3A_13 : vector<1000x128xf32>
      %get3A_14 = arith.constant 0 : index
      %get3A_15 = arith.constant 0 : index
      %get3A_16 = arith.constant 0 : index
      %get3A_17 = vector.load %arg4[%get3A_14, %get3A_15, %get3A_16] : memref<1x1000x128xf32, #tpu.memory_space<vmem>>, vector<1x1000x128xf32>
      %get3A_18 = vector.shape_cast %get3A_17 : vector<1x1000x128xf32> to vector<1000x128xf32>
      %add3A_19 = arith.addf %add3A, %get3A_18 : vector<1000x128xf32>
      %get3A_20 = arith.constant 0 : index
      %get3A_21 = arith.constant 0 : index
      %get3A_22 = vector.load %arg5[%get3A_20, %get3A_21] : memref<128x256xf32, #tpu.memory_space<vmem>>, vector<128x256xf32>
      %dot_general3A = arith.constant dense<0.000000e+00> : vector<1000x256xf32>
      %dot_general3A_23 = tpu.matmul %add3A_19, %get3A_22, %dot_general3A {dimension_numbers = #tpu.dot_dimension_numbers<[1], [0], [0], [1], [0, 0, 1, 1], [], []>, transpose_lhs_hint = false} : vector<1000x128xf32>, vector<128x256xf32>, vector<1000x256xf32> -> vector<1000x256xf32>
      %get3A_24 = arith.constant 0 : index
      %get3A_25 = arith.constant 0 : index
      %get3A_26 = vector.load %arg6[%get3A_24, %get3A_25] : memref<1x256xf32, #tpu.memory_space<vmem>>, vector<1x256xf32>
      %add3A_27 = vector.broadcast %get3A_26 : vector<1x256xf32> to vector<1000x256xf32>
      %add3A_28 = arith.addf %dot_general3A_23, %add3A_27 : vector<1000x256xf32>
      %mul3A = arith.constant 1000 : i32
      %mul3A_29 = arith.muli %arg1, %mul3A : i32
      %swap3A = arith.index_cast %mul3A_29 : i32 to index
      %swap3A_30 = arith.constant 0 : index
      %swap3A_31 = vector.load %arg15[%swap3A, %swap3A_30] : memref<10000x256xf32, #tpu.memory_space<vmem>>, vector<1000x256xf32>
      tpu.vector_store %arg15[%swap3A, %swap3A_30], %add3A_28 {strides = array<i32>} : memref<10000x256xf32, #tpu.memory_space<vmem>>, vector<1000x256xf32>,
      %get3A_32 = arith.constant 0 : index
      %get3A_33 = arith.constant 0 : index
      %get3A_34 = vector.load %arg7[%get3A_32, %get3A_33] : memref<256x256xf32, #tpu.memory_space<vmem>>, vector<256x256xf32>
      %dot_general3A_35 = arith.constant dense<0.000000e+00> : vector<1000x256xf32>
      %dot_general3A_36 = tpu.matmul %add3A_28, %get3A_34, %dot_general3A_35 {dimension_numbers = #tpu.dot_dimension_numbers<[1], [0], [0], [1], [0, 0, 1, 1], [], []>, transpose_lhs_hint = false} : vector<1000x256xf32>, vector<256x256xf32>, vector<1000x256xf32> -> vector<1000x256xf32>
      %get3A_37 = arith.constant 0 : index
      %get3A_38 = arith.constant 0 : index
      %get3A_39 = vector.load %arg8[%get3A_37, %get3A_38] : memref<1x256xf32, #tpu.memory_space<vmem>>, vector<1x256xf32>
      %add3A_40 = vector.broadcast %get3A_39 : vector<1x256xf32> to vector<1000x256xf32>
      %add3A_41 = arith.addf %dot_general3A_36, %add3A_40 : vector<1000x256xf32>
      %max3A = arith.constant 0.000000e+00 : f32
      %max3A_42 = vector.broadcast %max3A : f32 to vector<1000x256xf32>
      %max3A_43 = arith.maximumf %add3A_41, %max3A_42 : vector<1000x256xf32>
      %eq3A_44 = arith.constant 0 : i32
      %eq3A_45 = arith.cmpi eq, %arg1, %eq3A_44 : i32
      %convert_element_type3A_46 = arith.extui %eq3A_45 : i1 to i32
      %cond3A_47 = arith.constant 0 : i32
      %cond3A_48 = arith.cmpi ne, %convert_element_type3A_46, %cond3A_47 : i32
      scf.if %cond3A_48 {
        %broadcast_in_dim3A = arith.constant 0.000000e+00 : f32
        %broadcast_in_dim3A_74 = vector.broadcast %broadcast_in_dim3A : f32 to vector<64x256xf32>
        %swap3A_75 = arith.constant 0 : index
        %swap3A_76 = arith.constant 0 : index
        %swap3A_77 = vector.load %arg16[%swap3A_75, %swap3A_76] : memref<64x256xf32, #tpu.memory_space<vmem>>, vector<64x256xf32>
        tpu.vector_store %arg16[%swap3A_75, %swap3A_76], %broadcast_in_dim3A_74 {strides = array<i32>} : memref<64x256xf32, #tpu.memory_space<vmem>>, vector<64x256xf32>,
      } else {
      }
      %get3A_49 = arith.constant 0 : index
      %get3A_50 = arith.constant 0 : index
      %get3A_51 = vector.load %arg9[%get3A_49, %get3A_50] : memref<1000x1xf32, #tpu.memory_space<vmem>>, vector<1000x1xf32>
      %reduce_min3A = vector.shape_cast %get3A_51 : vector<1000x1xf32> to vector<1x1000x1xf32>
      %reduce_min3A_52 = arith.constant dense<0x7F800000> : vector<1xf32>
      %reduce_min3A_53 = vector.multi_reduction <minimumf>, %reduce_min3A, %reduce_min3A_52 [1, 2] : vector<1x1000x1xf32> to vector<1xf32>
      %reduce_min3A_54 = vector.shape_cast %reduce_min3A_53 : vector<1xf32> to vector<1x1x1xf32>
      %reduce_min3A_55 = vector.extract %reduce_min3A_54[0, 0, 0] : f32 from vector<1x1x1xf32>
      %convert_element_type3A_56 = arith.fptosi %reduce_min3A_55 : f32 to i32
      %reduce_max3A = vector.shape_cast %get3A_51 : vector<1000x1xf32> to vector<1x1000x1xf32>
      %reduce_max3A_57 = arith.constant dense<0xFF800000> : vector<1xf32>
      %reduce_max3A_58 = vector.multi_reduction <maximumf>, %reduce_max3A, %reduce_max3A_57 [1, 2] : vector<1x1000x1xf32> to vector<1xf32>
      %reduce_max3A_59 = vector.shape_cast %reduce_max3A_58 : vector<1xf32> to vector<1x1x1xf32>
      %reduce_max3A_60 = vector.extract %reduce_max3A_59[0, 0, 0] : f32 from vector<1x1x1xf32>
      %convert_element_type3A_61 = arith.fptosi %reduce_max3A_60 : f32 to i32
      %add3A_62 = arith.constant 1 : i32
      %add3A_63 = arith.addi %convert_element_type3A_61, %add3A_62 : i32
      %while3A = arith.constant 0 : i32
      %while3A_64 = arith.subi %add3A_63, %convert_element_type3A_56 : i32
      %while3A_65 = arith.addi %convert_element_type3A_56, %while3A_64 : i32
      %while3A_66 = arith.constant 1 : i32
      %while3A_67 = arith.divsi %while3A_64, %while3A_66 : i32
      %while3A_68 = arith.muli %while3A_67, %while3A_66 : i32
      %while3A_69 = arith.addi %convert_element_type3A_56, %while3A_68 : i32
      %while3A_70 = arith.constant 1 : i32
      %while3A_71 = scf.for %while3A_74 = %convert_element_type3A_56 to %while3A_69 step %while3A_70 iter_args(%while3A_75 = %while3A) -> (i32)  : i32 {
        %convert_element_type3A_76 = arith.sitofp %while3A_74 : i32 to f32
        %eq3A_77 = vector.broadcast %convert_element_type3A_76 : f32 to vector<1000x1xf32>
        %eq3A_78 = arith.cmpf oeq, %get3A_51, %eq3A_77 : vector<1000x1xf32>
        %jit3A = arith.constant 0.000000e+00 : f32
        %broadcast_in_dim3A = vector.shape_cast %eq3A_78 : vector<1000x1xi1> to vector<1000x1xi1>
        %broadcast_in_dim3A_79 = vector.broadcast %broadcast_in_dim3A : vector<1000x1xi1> to vector<1000x256xi1>
        %broadcast_in_dim3A_80 = vector.broadcast %jit3A : f32 to vector<1000x256xf32>
        %select_n3A = arith.select %broadcast_in_dim3A_79, %max3A_43, %broadcast_in_dim3A_80 : vector<1000x256xi1>, vector<1000x256xf32>
        %reduce_max3A_81 = arith.constant dense<0xFF800000> : vector<256xf32>
        %reduce_max3A_82 = vector.multi_reduction <maximumf>, %select_n3A, %reduce_max3A_81 [0] : vector<1000x256xf32> to vector<256xf32>
        %broadcast_in_dim3A_83 = vector.shape_cast %reduce_max3A_82 : vector<256xf32> to vector<1x256xf32>
        %get3A_84 = arith.index_cast %while3A_74 : i32 to index
        %get3A_85 = arith.constant 0 : index
        %get3A_86 = vector.load %arg16[%get3A_84, %get3A_85] : memref<64x256xf32, #tpu.memory_space<vmem>>, vector<1x256xf32>
        %max3A_87 = arith.maximumf %get3A_86, %broadcast_in_dim3A_83 : vector<1x256xf32>
        %swap3A_88 = arith.index_cast %while3A_74 : i32 to index
        %swap3A_89 = arith.constant 0 : index
        %swap3A_90 = vector.load %arg16[%swap3A_88, %swap3A_89] : memref<64x256xf32, #tpu.memory_space<vmem>>, vector<1x256xf32>
        tpu.vector_store %arg16[%swap3A_88, %swap3A_89], %max3A_87 {strides = array<i32>} : memref<64x256xf32, #tpu.memory_space<vmem>>, vector<1x256xf32>,
        %while3A_91 = arith.constant 0 : i32
        scf.yield %while3A_91 : i32
      }
      %while3A_72 = arith.constant 1 : i32
      %while3A_73 = scf.for %while3A_74 = %while3A_69 to %while3A_65 step %while3A_72 iter_args(%while3A_75 = %while3A_71) -> (i32)  : i32 {
        %convert_element_type3A_76 = arith.sitofp %while3A_74 : i32 to f32
        %eq3A_77 = vector.broadcast %convert_element_type3A_76 : f32 to vector<1000x1xf32>
        %eq3A_78 = arith.cmpf oeq, %get3A_51, %eq3A_77 : vector<1000x1xf32>
        %jit3A = arith.constant 0.000000e+00 : f32
        %broadcast_in_dim3A = vector.shape_cast %eq3A_78 : vector<1000x1xi1> to vector<1000x1xi1>
        %broadcast_in_dim3A_79 = vector.broadcast %broadcast_in_dim3A : vector<1000x1xi1> to vector<1000x256xi1>
        %broadcast_in_dim3A_80 = vector.broadcast %jit3A : f32 to vector<1000x256xf32>
        %select_n3A = arith.select %broadcast_in_dim3A_79, %max3A_43, %broadcast_in_dim3A_80 : vector<1000x256xi1>, vector<1000x256xf32>
        %reduce_max3A_81 = arith.constant dense<0xFF800000> : vector<256xf32>
        %reduce_max3A_82 = vector.multi_reduction <maximumf>, %select_n3A, %reduce_max3A_81 [0] : vector<1000x256xf32> to vector<256xf32>
        %broadcast_in_dim3A_83 = vector.shape_cast %reduce_max3A_82 : vector<256xf32> to vector<1x256xf32>
        %get3A_84 = arith.index_cast %while3A_74 : i32 to index
        %get3A_85 = arith.constant 0 : index
        %get3A_86 = vector.load %arg16[%get3A_84, %get3A_85] : memref<64x256xf32, #tpu.memory_space<vmem>>, vector<1x256xf32>
        %max3A_87 = arith.maximumf %get3A_86, %broadcast_in_dim3A_83 : vector<1x256xf32>
        %swap3A_88 = arith.index_cast %while3A_74 : i32 to index
        %swap3A_89 = arith.constant 0 : index
        %swap3A_90 = vector.load %arg16[%swap3A_88, %swap3A_89] : memref<64x256xf32, #tpu.memory_space<vmem>>, vector<1x256xf32>
        tpu.vector_store %arg16[%swap3A_88, %swap3A_89], %max3A_87 {strides = array<i32>} : memref<64x256xf32, #tpu.memory_space<vmem>>, vector<1x256xf32>,
        %while3A_91 = arith.constant 0 : i32
        scf.yield %while3A_91 : i32
      }
    } else {
    }
    %eq3A_2 = arith.constant 1 : i32
    %eq3A_3 = arith.cmpi eq, %arg0, %eq3A_2 : i32
    %convert_element_type3A_4 = arith.extui %eq3A_3 : i1 to i32
    %cond3A_5 = arith.constant 0 : i32
    %cond3A_6 = arith.cmpi ne, %convert_element_type3A_4, %cond3A_5 : i32
    scf.if %cond3A_6 {
      %eq3A_7 = arith.constant 0 : i32
      %eq3A_8 = arith.cmpi eq, %arg1, %eq3A_7 : i32
      %convert_element_type3A_9 = arith.extui %eq3A_8 : i1 to i32
      %cond3A_10 = arith.constant 0 : i32
      %cond3A_11 = arith.cmpi ne, %convert_element_type3A_9, %cond3A_10 : i32
      scf.if %cond3A_11 {
        %get3A_49 = arith.constant 0 : index
        %get3A_50 = arith.constant 0 : index
        %get3A_51 = vector.load %arg16[%get3A_49, %get3A_50] : memref<64x256xf32, #tpu.memory_space<vmem>>, vector<64x256xf32>
        %convert_element_type3A_52 = arith.truncf %get3A_51 : vector<64x256xf32> to vector<64x256xbf16>
        %get3A_53 = arith.constant 256 : index
        %get3A_54 = arith.constant 0 : index
        %get3A_55 = vector.load %arg10[%get3A_53, %get3A_54] : memref<512x1024xbf16, #tpu.memory_space<vmem>>, vector<256x1024xbf16>
        %dot_general3A_56 = arith.constant dense<0.000000e+00> : vector<64x1024xf32>
        %dot_general3A_57 = tpu.matmul %convert_element_type3A_52, %get3A_55, %dot_general3A_56 {dimension_numbers = #tpu.dot_dimension_numbers<[1], [0], [0], [1], [0, 0, 1, 1], [], []>, transpose_lhs_hint = false} : vector<64x256xbf16>, vector<256x1024xbf16>, vector<64x1024xf32> -> vector<64x1024xf32>
        %get3A_58 = arith.constant 0 : index
        %get3A_59 = arith.constant 0 : index
        %get3A_60 = vector.load %arg11[%get3A_58, %get3A_59] : memref<1x1024xf32, #tpu.memory_space<vmem>>, vector<1x1024xf32>
        %add3A_61 = vector.broadcast %get3A_60 : vector<1x1024xf32> to vector<64x1024xf32>
        %add3A_62 = arith.addf %dot_general3A_57, %add3A_61 : vector<64x1024xf32>
        %swap3A_63 = arith.constant 0 : index
        %swap3A_64 = arith.constant 0 : index
        %swap3A_65 = vector.load %arg17[%swap3A_63, %swap3A_64] : memref<64x1024xf32, #tpu.memory_space<vmem>>, vector<64x1024xf32>
        tpu.vector_store %arg17[%swap3A_63, %swap3A_64], %add3A_62 {strides = array<i32>} : memref<64x1024xf32, #tpu.memory_space<vmem>>, vector<64x1024xf32>,
      } else {
      }
      %get3A = arith.constant 0 : index
      %get3A_12 = arith.constant 0 : index
      %get3A_13 = vector.load %arg9[%get3A, %get3A_12] : memref<1000x1xf32, #tpu.memory_space<vmem>>, vector<1000x1xf32>
      %iota3A = tpu.iota {dimensions = array<i32: 1>} : vector<1x64xi32>
      %convert_element_type3A_14 = arith.sitofp %iota3A : vector<1x64xi32> to vector<1x64xf32>
      %eq3A_15 = vector.broadcast %get3A_13 : vector<1000x1xf32> to vector<1000x64xf32>
      %eq3A_16 = vector.broadcast %convert_element_type3A_14 : vector<1x64xf32> to vector<1000x64xf32>
      %eq3A_17 = arith.cmpf oeq, %eq3A_15, %eq3A_16 : vector<1000x64xf32>
      %convert_element_type3A_18 = arith.extui %eq3A_17 : vector<1000x64xi1> to vector<1000x64xi32>
      %convert_element_type3A_19 = arith.sitofp %convert_element_type3A_18 : vector<1000x64xi32> to vector<1000x64xf32>
      %get3A_20 = arith.constant 0 : index
      %get3A_21 = arith.constant 0 : index
      %get3A_22 = vector.load %arg17[%get3A_20, %get3A_21] : memref<64x1024xf32, #tpu.memory_space<vmem>>, vector<64x1024xf32>
      %dot_general3A = arith.constant dense<0.000000e+00> : vector<1000x1024xf32>
      %dot_general3A_23 = tpu.matmul %convert_element_type3A_19, %get3A_22, %dot_general3A {dimension_numbers = #tpu.dot_dimension_numbers<[1], [0], [0], [1], [0, 0, 1, 1], [], []>, transpose_lhs_hint = false} : vector<1000x64xf32>, vector<64x1024xf32>, vector<1000x1024xf32> -> vector<1000x1024xf32>
      %mul3A = arith.constant 1000 : i32
      %mul3A_24 = arith.muli %arg1, %mul3A : i32
      %get3A_25 = arith.index_cast %mul3A_24 : i32 to index
      %get3A_26 = arith.constant 0 : index
      %get3A_27 = vector.load %arg15[%get3A_25, %get3A_26] : memref<10000x256xf32, #tpu.memory_space<vmem>>, vector<1000x256xf32>
      %convert_element_type3A_28 = arith.truncf %get3A_27 : vector<1000x256xf32> to vector<1000x256xbf16>
      %get3A_29 = arith.constant 0 : index
      %get3A_30 = arith.constant 0 : index
      %get3A_31 = vector.load %arg10[%get3A_29, %get3A_30] : memref<512x1024xbf16, #tpu.memory_space<vmem>>, vector<256x1024xbf16>
      %dot_general3A_32 = arith.constant dense<0.000000e+00> : vector<1000x1024xf32>
      %dot_general3A_33 = tpu.matmul %convert_element_type3A_28, %get3A_31, %dot_general3A_32 {dimension_numbers = #tpu.dot_dimension_numbers<[1], [0], [0], [1], [0, 0, 1, 1], [], []>, transpose_lhs_hint = false} : vector<1000x256xbf16>, vector<256x1024xbf16>, vector<1000x1024xf32> -> vector<1000x1024xf32>
      %add3A = arith.addf %dot_general3A_33, %dot_general3A_23 : vector<1000x1024xf32>
      %max3A = arith.constant 0.000000e+00 : f32
      %max3A_34 = vector.broadcast %max3A : f32 to vector<1000x1024xf32>
      %max3A_35 = arith.maximumf %add3A, %max3A_34 : vector<1000x1024xf32>
      %convert_element_type3A_36 = arith.truncf %max3A_35 : vector<1000x1024xf32> to vector<1000x1024xbf16>
      %get3A_37 = arith.constant 0 : index
      %get3A_38 = arith.constant 0 : index
      %get3A_39 = vector.load %arg12[%get3A_37, %get3A_38] : memref<1024x150xbf16, #tpu.memory_space<vmem>>, vector<1024x150xbf16>
      %dot_general3A_40 = arith.constant dense<0.000000e+00> : vector<1000x150xf32>
      %dot_general3A_41 = tpu.matmul %convert_element_type3A_36, %get3A_39, %dot_general3A_40 {dimension_numbers = #tpu.dot_dimension_numbers<[1], [0], [0], [1], [0, 0, 1, 1], [], []>, transpose_lhs_hint = false} : vector<1000x1024xbf16>, vector<1024x150xbf16>, vector<1000x150xf32> -> vector<1000x150xf32>
      %get3A_42 = arith.constant 0 : index
      %get3A_43 = arith.constant 0 : index
      %get3A_44 = vector.load %arg13[%get3A_42, %get3A_43] : memref<1x150xf32, #tpu.memory_space<vmem>>, vector<1x150xf32>
      %add3A_45 = vector.broadcast %get3A_44 : vector<1x150xf32> to vector<1000x150xf32>
      %add3A_46 = arith.addf %dot_general3A_41, %add3A_45 : vector<1000x150xf32>
      %swap3A = arith.constant 0 : index
      %swap3A_47 = arith.constant 0 : index
      %swap3A_48 = vector.load %arg14[%swap3A, %swap3A_47] : memref<1000x150xf32, #tpu.memory_space<vmem>>, vector<1000x150xf32>
      tpu.vector_store %arg14[%swap3A, %swap3A_47], %add3A_46 {strides = array<i32>} : memref<1000x150xf32, #tpu.memory_space<vmem>>, vector<1000x150xf32>,
    } else {
    }
    return
  }
  func.func @transform_0(%arg0: i32, %arg1: i32) -> (i32, i32) {
    %eq3A = arith.constant 0 : i32
    %eq3A_0 = arith.cmpi eq, %arg0, %eq3A : i32
    %jit3A = arith.constant 0 : i32
    %select_n3A = arith.select %eq3A_0, %arg1, %jit3A : i32
    %c0_i32 = arith.constant 0 : i32
    %c0_i32_1 = arith.constant 0 : i32
    return %select_n3A, %c0_i32 : i32, i32
  }
  func.func @transform_1(%arg0: i32, %arg1: i32) -> (i32, i32, i32) {
    %eq3A = arith.constant 0 : i32
    %eq3A_0 = arith.cmpi eq, %arg0, %eq3A : i32
    %jit3A = arith.constant 0 : i32
    %select_n3A = arith.select %eq3A_0, %arg1, %jit3A : i32
    %c0_i32 = arith.constant 0 : i32
    %c0_i32_1 = arith.constant 0 : i32
    %c0_i32_2 = arith.constant 0 : i32
    return %c0_i32, %select_n3A, %c0_i32_1 : i32, i32, i32
  }
  func.func @transform_2(%arg0: i32, %arg1: i32) -> (i32, i32, i32) {
    %eq3A = arith.constant 0 : i32
    %eq3A_0 = arith.cmpi eq, %arg0, %eq3A : i32
    %jit3A = arith.constant 0 : i32
    %select_n3A = arith.select %eq3A_0, %arg1, %jit3A : i32
    %c1_i32 = arith.constant 1 : i32
    %c0_i32 = arith.constant 0 : i32
    %c0_i32_1 = arith.constant 0 : i32
    return %c1_i32, %select_n3A, %c0_i32 : i32, i32, i32
  }
  func.func @transform_3(%arg0: i32, %arg1: i32) -> (i32, i32) {
    %c0_i32 = arith.constant 0 : i32
    %c0_i32_0 = arith.constant 0 : i32
    %c0_i32_1 = arith.constant 0 : i32
    return %c0_i32, %c0_i32_0 : i32, i32
  }
  func.func @transform_4(%arg0: i32, %arg1: i32) -> (i32, i32) {
    %c0_i32 = arith.constant 0 : i32
    %c0_i32_0 = arith.constant 0 : i32
    %c0_i32_1 = arith.constant 0 : i32
    return %c0_i32, %c0_i32_0 : i32, i32
  }
  func.func @transform_5(%arg0: i32, %arg1: i32) -> (i32, i32) {
    %c0_i32 = arith.constant 0 : i32
    %c0_i32_0 = arith.constant 0 : i32
    %c0_i32_1 = arith.constant 0 : i32
    return %c0_i32, %c0_i32_0 : i32, i32
  }
  func.func @transform_6(%arg0: i32, %arg1: i32) -> (i32, i32) {
    %c0_i32 = arith.constant 0 : i32
    %c0_i32_0 = arith.constant 0 : i32
    %c0_i32_1 = arith.constant 0 : i32
    return %c0_i32, %c0_i32_0 : i32, i32
  }
  func.func @transform_7(%arg0: i32, %arg1: i32) -> (i32, i32) {
    %c0_i32 = arith.constant 0 : i32
    %c0_i32_0 = arith.constant 0 : i32
    return %arg1, %c0_i32 : i32, i32
  }
  func.func @transform_8(%arg0: i32, %arg1: i32) -> (i32, i32) {
    %c0_i32 = arith.constant 0 : i32
    %c0_i32_0 = arith.constant 0 : i32
    %c0_i32_1 = arith.constant 0 : i32
    return %c0_i32, %c0_i32_0 : i32, i32
  }
  func.func @transform_9(%arg0: i32, %arg1: i32) -> (i32, i32) {
    %c0_i32 = arith.constant 0 : i32
    %c0_i32_0 = arith.constant 0 : i32
    %c0_i32_1 = arith.constant 0 : i32
    return %c0_i32, %c0_i32_0 : i32, i32
  }
  func.func @transform_10(%arg0: i32, %arg1: i32) -> (i32, i32) {
    %c0_i32 = arith.constant 0 : i32
    %c0_i32_0 = arith.constant 0 : i32
    %c0_i32_1 = arith.constant 0 : i32
    return %c0_i32, %c0_i32_0 : i32, i32
  }
  func.func @transform_11(%arg0: i32, %arg1: i32) -> (i32, i32) {
    %c0_i32 = arith.constant 0 : i32
    %c0_i32_0 = arith.constant 0 : i32
    %c0_i32_1 = arith.constant 0 : i32
    return %c0_i32, %c0_i32_0 : i32, i32
  }
  func.func @transform_12(%arg0: i32, %arg1: i32) -> (i32, i32) {
    %eq3A = arith.constant 1 : i32
    %eq3A_0 = arith.cmpi eq, %arg0, %eq3A : i32
    %jit3A = arith.constant 0 : i32
    %select_n3A = arith.select %eq3A_0, %arg1, %jit3A : i32
    %c0_i32 = arith.constant 0 : i32
    %c0_i32_1 = arith.constant 0 : i32
    return %select_n3A, %c0_i32 : i32, i32
  }
}

</mosaic_0001>

<sc_bundles>
// kernel: kernel.4.cloned.1.call-start
scs
__scs_entry_jumppad:
0x0: {  	(pc) =	sbr.rel $0x88, $3  }
0x1: {  	(tag) =	ssettag $0x0;
	lr =	simm.s32 $0x1  }
0x2: {  	[smem:$0x3F96] =	sst lr;
	_ =	strace $0xD0000000  }
0x3: {  	_ = 	snop  }
0x4: {  	_ = 	snop  }
0x5: {  	_ = 	snop  }
0x6: {  	_ = 	snop  }
0x7: {  	_ = 	snop  }
__scs_overlays_trampoline_lowered:
0x8: {  	[smem:$0x3FA5] =	sst s0  }
0x9: {  	[smem:$0x3FA6] =	sst s1  }
0xa: {  	[smem:$0x3FA7] =	sst s2  }
0xb: {  	[smem:$0x3FA8] =	sst s3  }
0xc: {  	[smem:$0x3FA9] =	sst s4  }
0xd: {  	[smem:$0x3FAA] =	sst s5  }
0xe: {  	[smem:$0x3FAB] =	sst s6  }
0xf: {  	[smem:$0x3FAC] =	sst s7  }
0x10: {  	[smem:$0x3FAD] =	sst s8  }
0x11: {  	[smem:$0x3FAE] =	sst s9;
	s0 =	simm.s32 @!p0 $0x0  }
0x12: {  	s1 =	sld [smem:$0x3F94];
	s0 =	simm.s32 @p0 $0x1  }
0x13: {  	[smem:$0x3FAF] =	sst s0;
	s0 =	simm.s32 @!p1 $0x0  }
0x14: {  	s2 =	sld [smem:$0x3F93];
	s0 =	simm.s32 @p1 $0x1  }
0x15: {  	[smem:$0x3FB0] =	sst s0;
	s0 =	simm.s32 @!p2 $0x0  }
0x16: {  	s3 =	sld [smem:$0x3FDB];
	s0 =	simm.s32 @p2 $0x1  }
0x17: {  	s4 =	simm.s32 $0x1BF5;
	[smem:$0x3FB2] =	sst s0  }
0x18: {  	s0 =	sld [smem:$0x3F95];
	_ =	swait.ge [sflag:s4], $0x0  }
0x19: {  	s7 =	sld [smem:$0x3F96]  }
0x1a: {  	s8 =	sadd.s32 $0xFFFFE003, lr  }
0x1b: {  	s9 =	sadd.s32 $0xFFFFFEF7, lr;
	s5 =	simm.s32 $0xFFFFFFFF;
	p2 =	slt.u32 s8, $0xFFFFF086  }
0x1c: {  	p1 =	slt.u32 s9, $0xF7A;
	s5 =	simm.s32 @!p2 $0x0  }
0x1d: {  	s5 =	simm.s32 @p1 $0x1;
	p0 =	seq.s32 s7, s2  }
0x1e: {  	s7 =	smul.u32 @!p0 $0xF7A, s2;
	p2 =	seq.s32 @!p0 s5, $0x0  }
0x1f: {  	s9 =	smul.u32 $0xF7A, s1;
	s8 =	simm.s32 @!p0 $0x1BF5;
	p2 =	por !p2, p0  }
0x20: {  	[sflag:s8] =	ssyncset.s32 @!p0 $0xFFFFF086;
	s6 =	sadd.s32 @!p0 s3, s7;
	s7 =	simm.s32 @!p0 $0x108  }
0x21: {  	s3 =	sadd.s32 s3, s9;
	s6 =	sadd.s32 @!p0 $0x88, s6;
	s7 =	simm.s32 @p2 $0x1082  }
0x22: {  	[simem:s7], [sflag:s8] =	dma.local @!p0 [hbm:s6], $0xF7A  }
0x23: {  	s9 =	sor.u32 $0xD0000000, s2;
	s6 =	simm.s32 $0x108;
	_ =	swait.ge @!p0 [sflag:s8], $0x0  }
0x24: {  	s3 =	sadd.s32 $0x88, s3;
	s6 =	simm.s32 @!p1 $0x1082;
	[sflag:s4] =	ssyncset.s32 $0xFFFFF086  }
0x25: {  	[simem:s6], [sflag:s4] =	dma.local [hbm:s3], $0xF7A  }
0x26: {  	[smem:$0x3F96] =	sst s1;
	(tag) =	ssettag s2;
	_ =	strace s9  }
0x27: {  	s1 =	sld [smem:$0x3FA6]  }
0x28: {  	s2 =	sld [smem:$0x3FA7]  }
0x29: {  	s4 =	sld [smem:$0x3FA9]  }
0x2a: {  	p0 =	seq.s32 s5, $0x0;
	s5 =	sld [smem:$0x3FAA]  }
0x2b: {  	s6 =	sld [smem:$0x3FAB]  }
0x2c: {  	s7 =	sld [smem:$0x3FAC]  }
0x2d: {  	s3 =	simm.s32 $0x108;
	s8 =	sld [smem:$0x3FAD]  }
0x2e: {  	s3 =	simm.s32 @!p0 $0x1082;
	s9 =	sld [smem:$0x3FAE]  }
0x2f: {  	lr =	sadd.s32 s0, s3;
	s0 =	sld [smem:$0x3FA5]  }
0x30: {  	s3 =	sld [smem:$0x3FA8]  }
0x31: {  	[smem:$0x3FB1] =	sst s10  }
0x32: {  	s10 =	sld [smem:$0x3FAF];
	_ =	sdelay $0x3  }
0x33: {  	p0 =	seq.s32 s10, $0x1;
	s10 =	sld [smem:$0x3FB1];
	_ =	sdelay $0x3  }
0x34: {  	[smem:$0x3FB1] =	sst s10  }
0x35: {  	s10 =	sld [smem:$0x3FB0];
	_ =	sdelay $0x3  }
0x36: {  	p1 =	seq.s32 s10, $0x1;
	s10 =	sld [smem:$0x3FB1];
	_ =	sdelay $0x3  }
0x37: {  	[smem:$0x3FB1] =	sst s10  }
0x38: {  	s10 =	sld [smem:$0x3FB2]  }
0x39: {  	_ = 	snop;
	(pc) =	sbr.ind lr, $3  }
0x3a: {  	_ = 	snop  }
0x3b: {  	_ = 	snop  }
0x3c: {  	p2 =	seq.s32 s10, $0x1;
	s10 =	sld [smem:$0x3FB1]  }
0x3d: {  	_ =	shalt  }
0x3e: {  	_ =	shalt  }
0x3f: {  	_ =	shalt  }
0x40: {  	_ =	shalt  }
0x41: {  	_ =	shalt  }
0x42: {  	_ =	shalt  }
0x43: {  	_ =	shalt  }
0x44: {  	_ =	shalt  }
0x45: {  	_ =	shalt  }
0x46: {  	_ =	shalt  }
0x47: {  	_ =	shalt  }
0x48: {  	_ =	shalt  }
0x49: {  	_ =	shalt  }
0x4a: {  	_ =	shalt  }
0x4b: {  	_ =	shalt  }
0x4c: {  	_ =	shalt  }
0x4d: {  	_ =	shalt  }
0x4e: {  	_ =	shalt  }
0x4f: {  	_ =	shalt  }
0x50: {  	_ =	shalt  }
0x51: {  	_ =	shalt  }
0x52: {  	_ =	shalt  }
0x53: {  	_ =	shalt  }
0x54: {  	_ =	shalt  }
0x55: {  	_ =	shalt  }
0x56: {  	_ =	shalt  }
0x57: {  	_ =	shalt  }
0x58: {  	_ =	shalt  }
0x59: {  	_ =	shalt  }
0x5a: {  	_ =	shalt  }
0x5b: {  	_ =	shalt  }
0x5c: {  	_ =	shalt  }
0x5d: {  	_ =	shalt  }
0x5e: {  	_ =	shalt  }
0x5f: {  	_ =	shalt  }
0x60: {  	_ =	shalt  }
0x61: {  	_ =	shalt  }
0x62: {  	_ =	shalt  }
0x63: {  	_ =	shalt  }
0x64: {  	_ =	shalt  }
0x65: {  	_ =	shalt  }
0x66: {  	_ =	shalt  }
0x67: {  	_ =	shalt  }
0x68: {  	_ =	shalt  }
0x69: {  	_ =	shalt  }
0x6a: {  	_ =	shalt  }
0x6b: {  	_ =	shalt  }
0x6c: {  	_ =	shalt  }
0x6d: {  	_ =	shalt  }
0x6e: {  	_ =	shalt  }
0x6f: {  	_ =	shalt  }
0x70: {  	_ =	shalt  }
0x71: {  	_ =	shalt  }
0x72: {  	_ =	shalt  }
0x73: {  	_ =	shalt  }
0x74: {  	_ =	shalt  }
0x75: {  	_ =	shalt  }
0x76: {  	_ =	shalt  }
0x77: {  	_ =	shalt  }
0x78: {  	_ =	shalt  }
0x79: {  	_ =	shalt  }
0x7a: {  	_ =	shalt  }
0x7b: {  	_ =	shalt  }
0x7c: {  	_ =	shalt  }
0x7d: {  	_ =	shalt  }
0x7e: {  	_ =	shalt  }
0x7f: {  	_ =	shalt  }
0x80: {  	_ =	shalt  }
0x81: {  	_ =	shalt  }
0x82: {  	_ =	shalt  }
0x83: {  	_ =	shalt  }
0x84: {  	_ =	shalt  }
0x85: {  	_ =	shalt  }
0x86: {  	_ =	shalt  }
0x87: {  	_ =	shalt  }
.Lfunc_end0:
.L_simem_size_0:
called_computation_lowered:
.L_overlay_start_0:
0x88: {  	s2 =	sld [smem:$0x3FD9]  }
0x89: {  	s3 =	sld [smem:$0x3FFE];
	_ =	sdelay $0x1  }
0x8a: {  	s1 =	srdreg.scid  }
0x8b: {  	s0 =	sand.u32 $0x1, s1  }
0x8c: {  	s17 =	sshll.u32 s0, $0xA;
	s2 =	sadd.s32 s3, s2  }
0x8d: {  	s2 =	sadd.s32 s2, s17  }
0x8e: {  	[smem:$0x3FBD] =	sst s2  }
0x8f: {  	_ = 	snop  }
0x90: {  	s2 =	sld [smem:$0x3FC9]  }
0x91: {  	s18 =	sld [smem:$0x3FD0];
	(tm) =	ssettm $0x1  }
0x92: {  	s4 =	sld [smem:$0x3FFB];
	_ =	sdelay $0x3  }
0x93: {  	_ =	strace s4  }
0x94: {  	s4 =	sld [smem:$0x3FFC];
	_ =	sdelay $0x3  }
0x95: {  	_ =	strace s4  }
0x96: {  	s4 =	sld [smem:$0x3FFD];
	_ =	sdelay $0x3  }
0x97: {  	_ =	strace s4  }
0x98: {  	_ =	strace $0x8FFFFFFF  }
0x99: {  	s19 =	sld [smem:$0x3FDB];
	_ =	sdelay $0x1  }
0x9a: {  	s5 =	simm.s32 $_scs_section_size  }
0x9b: {  	s6 =	simm.s32 $_size__tile_overlayer_lowered;
	s7 =	simm.s32 $_tile_overlayer_lowered  }
0x9c: {  	s22 =	simm.s32 $0x1BFF;
	s21 =	sshll.u32 s7, $0x1;
	s4 =	sadd.s32 s5, s19  }
0x9d: {  	s8 =	simm.s32 $0x0;
	s20 =	sshll.u32 s6, $0x1;
	s6 =	sadd.s32 s21, s4  }
0x9e: {  	[timem:s8], [sflag:s22] =	dma.local [hbm:s6], s20  }
0x9f: {  	_ =	swait.ge [sflag:s22], s20  }
0xa0: {  	s5 =	ssub.s32 $0x0, s20;
	[sflag:s22] =	ssyncset.done $0x0  }
0xa1: {  	[sflag:s22] =	ssyncadd.s32 s5;
	_ =	sdelay $0x1  }
0xa2: {  	s23 =	simm.s32 $0x1B8B  }
0xa3: {  	_ =	swait.ge [sflag:s23], $0x1  }
0xa4: {  	[sflag:s23] =	ssyncset.done $0x0  }
0xa5: {  	s25 =	simm.s32 $0x1B8E;
	s24 =	sld [smem:$0x3FFE];
	[sflag:s23] =	ssyncadd.s32 $0xFFFFFFFF  }
0xa6: {  	s26 =	simm.s32 $execute0_lowered;
	[smem:$0x3FD2] =	sst s25  }
0xa7: {  	s6 =	sshll.u32 s26, $0x1;
	_ =	strace $0x80000046;
	[dreg:$0x1] =	wrdreg $0xFFFFFFFF  }
0xa8: {  	s28 =	simm.s32 $_size_execute0_lowered;
	s4 =	sadd.s32 s4, s6;
	[dreg:$0x0] =	wrdreg $0x0  }
0xa9: {  	s6 =	sshll.u32 s28, $0x1;
	[dreg:$0x2] =	wrdreg s4  }
0xaa: {  	[dreg:$0x3] =	wrdreg s6  }
0xab: {  	[dreg:$0x4] =	wrdreg $0xC0  }
0xac: {  	_ =	task [dreg:s8], $0x5FFFF  }
0xad: {  	[dreg:$0x1] =	wrdreg $0xFFFFFFFF  }
0xae: {  	[dreg:$0x0] =	wrdreg $0x60  }
0xaf: {  	[dreg:$0x2] =	wrdreg s2  }
0xb0: {  	[dreg:$0x3] =	wrdreg s18  }
0xb1: {  	[dreg:$0x4] =	wrdreg s24  }
0xb2: {  	[dreg:$0x5] =	wrdreg $0xA8000  }
0xb3: {  	[dreg:$0x6] =	wrdreg $0x9  }
0xb4: {  	_ =	task.clear_ibuf [dreg:s8], $0x7FFFF;
	_ =	strace $0x90000046  }
0xb5: {  	s29 =	simm.s32 $0x9;
	_ =	strace $0x80000048  }
0xb6: {  	_ =	swait.ge [sflag:s29], $0x1  }
0xb7: {  	[sflag:s29] =	ssyncadd.s32 $0xFFFFFFFF  }
0xb8: {  	_ =	strace $0x90000048  }
0xb9: {  	_ =	sfence  }
0xba: {  	s30 =	sld [smem:$0x0];
	_ =	sdelay $0x2  }
0xbb: {  	s31 =	sshll.u32 s1, $0xD;
	s1 =	sshrl.u32 s1, $0x2  }
0xbc: {  	s3 =	sand.u32 $0x4000, s31;
	s1 =	sadd.s32 s1, s30  }
0xbd: {  	s0 =	sor.u32 s3, s0;
	s1 =	sshll.u32 s1, $0x11  }
0xbe: {  	s0 =	sor.u32 s1, s0  }
0xbf: {  	s0 =	sadd.s32 $0x8F2B, s0  }
0xc0: {  	[sflag:s0] =	ssyncadd.remote.s32 $0x1  }
0xc1: {  	_ =	sfence.sel $0xFFFF  }
0xc2: {  	[dreg:$0x0] =	wrdreg $0xFFFFFFFF;
	(pc) =	sbr.abs _section_cstart, $3  }
0xc3: {  	[dreg:$0x1] =	wrdreg $0xFFFFFFFF  }
0xc4: {  	_ =	task.clear_ibuf [dreg:s8], $0x2FFFF;
	_ =	strace $0x9FFFFFFF  }
0xc5: {  	(tm) =	ssettm $0x7FFFFFFF  }
tec
execute0_lowered:
.L_overlay_start_1:
0x0: {  	(tag) =	ssettag $0x1  }
0x1: {  	s1 =	rddreg [dreg:$0x0]  }
0x2: {  	s11 =	rddreg [dreg:$0x1]  }
0x3: {  	s5 =	rddreg [dreg:$0x2]  }
0x4: {  	s2 =	rddreg [dreg:$0x3];
	s3 =	simm.s32 $0x0;
	s4 =	srdreg.scid  }
0x5: {  	s0 =	stileid.u32;
	s18 =	simm.s32 $0x80;
	s19 =	simm.s32 $0x6800  }
0x6: {  	s20 =	simm.s32 $0x2;
	s21 =	simm.s32 $0x1480;
	s22 =	simm.s32 $0x3  }
0x7: {  	s23 =	simm.s32 $0x4;
	s26 =	simm.s32 $0x0;
	s8 =	smul.u32 $0x4F000, s0  }
0x8: {  	[smem:$0x7FF] =	sst s3;
	s6 =	sand.u32 $0x1, s4;
	s25 =	smul.u32 $0x2780, s0  }
0x9: {  	s15 =	sadd.s32 $0xA000, s11;
	s7 =	smul.u32 $0x27800, s6;
	s30 =	ssub.s32 $0x2, s6  }
0xa: {  	_ =	strace $0x80000047;
	s6 =	sshll.u32 s6, $0x4;
	s31 =	sshrl.u32 s30, $0x1  }
0xb: {  	s6 =	sor.u32 s0, s6;
	s8 =	sshrl.u32 s8, $0x2;
	s12 =	sadd.s32 s7, s5  }
0xc: {  	s13 =	ssub.s32 s30, s31;
	s5 =	sadd.s32 s8, s2;
	s14 =	smul.u32 $0x500, s6  }
0xd: {  	s6 =	sadd.s32 $0x4000, s5;
	s7 =	sadd.s32 $0x8000, s5;
	s8 =	sadd.s32 $0xC000, s5  }
0xe: {  	s9 =	sadd.s32 $0x10000, s5;
	s24 =	sadd.s32 $0x2000, s12;
	s12 =	simm.s32 $0x2800  }
0xf: {  	s10 =	sadd.s32 s11, s14;
	s11 =	smax.u32 s13, $0x1;
	s13 =	simm.s32 $0x5  }
0x10: {  	s14 =	sadd.s32 s14, s15;
	s15 =	simm.s32 $0x1400;
	s24 =	sadd.s32 s25, s24  }
0x11: {  	v0 =	vimm.f32 $0.0e+00;
	s25 =	simm.s32 $0x1;
	s16 =	sadd.s32 $0x280, s10;
	s17 =	sadd.s32 $0x280, s14  }
.LBB2_1:
0x12: {  	s28 =	sand.u32 $0xFE00, s3  }
0x13: {  	s29 =	sand.u32 $0x70, s3;
	s30 =	sshrl.u32 s28, $0x2  }
0x14: {  	s28 =	simm.s32 $0x40;
	s30 =	sor.u32 s29, s30;
	s29 =	simm.s32 $0x0  }
.LBB2_2:
0x15: {  	p0 =	sne.s32 s28, $0xFFC0  }
0x16: {  	[tilespmem:s30+$0x2800] =	vst v0;
	s29 =	sadd.s32 $0x10, s29;
	s30 =	smov.u32 s28;
	s28 =	sadd.s32 $0x40, s28  }
.Ltmp0:
0x17: {  	(pc) =	sbr.rel @p0 .LBB2_2-.Ltmp0, $4  }
0x18: {  	_ = 	snop  }
0x19: {  	s30 =	sand.u32 $0xFE00, s30  }
0x1a: {  	s31 =	sand.u32 $0x70, s29;
	s30 =	sshrl.u32 s30, $0x2  }
0x1b: {  	s30 =	sor.u32 s31, s30  }
0x1c: {  	[tilespmem:s30+$0x2800] =	vst v0  }
0x1d: {  	[spmem:s5] =	stream.linear.scatter [tilespmem:s12], [sflag:$0x5], $0x4000, $0x38;
	[tilespmem:$0x1E400] =	vst v63  }
0x1e: {  	_ =	swait.ge [sflag:s13], $0x4000  }
0x1f: {  	[sflag:s13] =	ssyncset.done $0x0  }
0x20: {  	[sflag:s13] =	ssyncadd.s32 $0xFFFFC000  }
0x21: {  	[spmem:s6] =	stream.linear.scatter [tilespmem:s12], [sflag:$0x5], $0x4000, $0x38;
	[tilespmem:$0x1E400] =	vst v63  }
0x22: {  	_ =	swait.ge [sflag:s13], $0x4000  }
0x23: {  	[sflag:s13] =	ssyncset.done $0x0  }
0x24: {  	[sflag:s13] =	ssyncadd.s32 $0xFFFFC000  }
0x25: {  	[spmem:s7] =	stream.linear.scatter [tilespmem:s12], [sflag:$0x5], $0x4000, $0x38;
	[tilespmem:$0x1E400] =	vst v63  }
0x26: {  	_ =	swait.ge [sflag:s13], $0x4000  }
0x27: {  	[sflag:s13] =	ssyncset.done $0x0  }
0x28: {  	[sflag:s13] =	ssyncadd.s32 $0xFFFFC000  }
0x29: {  	[spmem:s8] =	stream.linear.scatter [tilespmem:s12], [sflag:$0x5], $0x4000, $0x38;
	[tilespmem:$0x1E400] =	vst v63  }
0x2a: {  	_ =	swait.ge [sflag:s13], $0x4000  }
0x2b: {  	[sflag:s13] =	ssyncset.done $0x0  }
0x2c: {  	[sflag:s13] =	ssyncadd.s32 $0xFFFFC000  }
0x2d: {  	[spmem:s9] =	stream.linear.scatter [tilespmem:s12], [sflag:$0x5], $0x3C00, $0x38;
	[tilespmem:$0x1E400] =	vst v63  }
0x2e: {  	_ =	swait.ge [sflag:s13], $0x3C00  }
0x2f: {  	[sflag:s13] =	ssyncset.done $0x0  }
0x30: {  	[sflag:s13] =	ssyncadd.s32 $0xFFFFC400  }
0x31: {  	[tilespmem:s3], [sflag:$0x5] =	stream.linear.gather [hbm4b:s10+s3], $0x1400, $0x38;
	[tilespmem:$0x1E400] =	vst v63  }
0x32: {  	_ =	swait.ge [sflag:s13], $0x1400  }
0x33: {  	[sflag:s13] =	ssyncset.done $0x0  }
0x34: {  	[sflag:s13] =	ssyncadd.s32 $0xFFFFEC00  }
0x35: {  	[tilespmem:s15], [sflag:$0x5] =	stream.linear.gather [hbm4b:s14+s3], $0x1400, $0x38;
	[tilespmem:$0x1E400] =	vst v63  }
0x36: {  	_ =	swait.ge [sflag:s13], $0x1400  }
0x37: {  	[sflag:s13] =	ssyncset.done $0x0  }
0x38: {  	[sflag:s13] =	ssyncadd.s32 $0xFFFFEC00  }
0x39: {  	[bflag:$0x0] =	sbarrier.arrive $0xFFFF  }
0x3a: {  	[tilespmem:s12], [sflag:$0x1] =	stream.indirect.gather [hbm4b:s1+s18], $0x80, s3, s18, $0xb8;
	[tilespmem:$0x1E400] =	vst v63  }
0x3b: {  	s28 =	simm.s32 $0x1  }
0x3c: {  	[tilespmem:s19], [sflag:$0x2] =	stream.indirect.gather [hbm4b:s1+s18], $0x80, s18, s18, $0xb8;
	[tilespmem:$0x1E400] =	vst v63  }
0x3d: {  	_ =	swait.ge [sflag:s28], $0x4000  }
0x3e: {  	[sflag:s28] =	ssyncset.done $0x0  }
0x3f: {  	[sflag:s28] =	ssyncadd.s32 $0xFFFFC000  }
0x40: {  	[spmem:s2] =	stream.indirect.scatter.add.f32 [tilespmem:s12], [sflag:$0x3], $0x80, s15, s18, $0xb8;
	[tilespmem:$0x1E400] =	vst v63  }
0x41: {  	_ =	swait.ge [sflag:s20], $0x4000  }
0x42: {  	[sflag:s20] =	ssyncset.done $0x0  }
0x43: {  	[sflag:s20] =	ssyncadd.s32 $0xFFFFC000  }
0x44: {  	[spmem:s2] =	stream.indirect.scatter.add.f32 [tilespmem:s19], [sflag:$0x4], $0x80, s21, s18, $0xb8;
	[tilespmem:$0x1E400] =	vst v63  }
0x45: {  	_ =	swait.ge [sflag:s22], $0x4000  }
0x46: {  	[sflag:s22] =	ssyncset.done $0x0  }
0x47: {  	[sflag:s22] =	ssyncadd.s32 $0xFFFFC000  }
0x48: {  	_ =	swait.ge [sflag:s23], $0x4000  }
0x49: {  	p0 =	por $0x1, $0x1;
	[sflag:s23] =	ssyncset.done $0x0  }
0x4a: {  	s29 =	simm.s32 @!p0 $0x5;
	s28 =	simm.s32 @!p0 $0x0;
	[sflag:s23] =	ssyncadd.s32 $0xFFFFC000  }
0x4b: {  	[tilespmem:s28], [sflag:$0x5] =	stream.linear.gather @!p0 [hbm4b:s16+s28], $0x1400, $0x38;
	[tilespmem:$0x1E400] =	vst v63  }
0x4c: {  	_ =	swait.ge @!p0 [sflag:s29], $0x1400  }
0x4d: {  	[sflag:s29] =	ssyncset.done @!p0 $0x0  }
0x4e: {  	s30 =	simm.s32 @!p0 $0x1400;
	[sflag:s29] =	ssyncadd.s32 @!p0 $0xFFFFEC00  }
0x4f: {  	[tilespmem:s30], [sflag:$0x5] =	stream.linear.gather @!p0 [hbm4b:s17+s28], $0x1400, $0x38;
	[tilespmem:$0x1E400] =	vst v63  }
0x50: {  	p1 =	por $0x1, $0x1;
	_ =	swait.ge @!p0 [sflag:s29], $0x1400  }
0x51: {  	s28 =	simm.s32 $0x100;
	s30 =	simm.s32 $0xFFFFED00;
	[sflag:s29] =	ssyncset.done @!p0 $0x0  }
0x52: {  	s30 =	smov.u32 @p1 s28;
	[sflag:s29] =	ssyncadd.s32 @!p0 $0xFFFFEC00  }
0x53: {  	[tilespmem:s12], [sflag:$0x1] =	stream.indirect.gather [hbm4b:s1+s18], $0x80, s30, s18, $0xb8;
	[tilespmem:$0x1E400] =	vst v63  }
0x54: {  	s28 =	sor.u32 $0x80, s30  }
0x55: {  	[tilespmem:s19], [sflag:$0x2] =	stream.indirect.gather [hbm4b:s1+s18], $0x80, s28, s18, $0xb8;
	[tilespmem:$0x1E400] =	vst v63  }
0x56: {  	_ =	swait.ge [sflag:s25], $0x4000  }
0x57: {  	[sflag:s25] =	ssyncset.done $0x0  }
0x58: {  	s28 =	sadd.s32 $0x1400, s30;
	[sflag:s25] =	ssyncadd.s32 $0xFFFFC000  }
0x59: {  	[spmem:s2] =	stream.indirect.scatter.add.f32 [tilespmem:s12], [sflag:$0x3], $0x80, s28, s18, $0xb8;
	[tilespmem:$0x1E400] =	vst v63  }
0x5a: {  	_ =	swait.ge [sflag:s20], $0x4000  }
0x5b: {  	s29 =	simm.s32 $0x200;
	[sflag:s20] =	ssyncset.done $0x0  }
0x5c: {  	s30 =	sadd.s32 $0x1480, s30;
	s28 =	simm.s32 $0x2;
	[sflag:s20] =	ssyncadd.s32 $0xFFFFC000  }
.LBB2_4:
0x5d: {  	[spmem:s2] =	stream.indirect.scatter.add.f32 [tilespmem:s19], [sflag:$0x4], $0x80, s30, s18, $0xb8;
	[tilespmem:$0x1E400] =	vst v63  }
0x5e: {  	s30 =	smov.u32 s28;
	s28 =	sadd.s32 $0x1, s28;
	_ =	swait.ge [sflag:s22], $0x4000  }
0x5f: {  	p0 =	sne.s32 s28, $0x28;
	[sflag:s22] =	ssyncset.done $0x0  }
0x60: {  	[sflag:s22] =	ssyncadd.s32 $0xFFFFC000  }
0x61: {  	_ =	swait.ge [sflag:s23], $0x4000  }
0x62: {  	p1 =	sne.s32 s30, $0x14;
	[sflag:s23] =	ssyncset.done $0x0  }
0x63: {  	s31 =	simm.s32 @!p1 $0x0;
	s0 =	simm.s32 @!p1 $0x5;
	[sflag:s23] =	ssyncadd.s32 $0xFFFFC000  }
0x64: {  	[tilespmem:s31], [sflag:$0x5] =	stream.linear.gather @!p1 [hbm4b:s16+s31], $0x1400, $0x38;
	[tilespmem:$0x1E400] =	vst v63  }
0x65: {  	_ =	swait.ge @!p1 [sflag:s0], $0x1400  }
0x66: {  	[sflag:s0] =	ssyncset.done @!p1 $0x0  }
0x67: {  	s4 =	simm.s32 @!p1 $0x1400;
	[sflag:s0] =	ssyncadd.s32 @!p1 $0xFFFFEC00  }
0x68: {  	[tilespmem:s4], [sflag:$0x5] =	stream.linear.gather @!p1 [hbm4b:s17+s31], $0x1400, $0x38;
	[tilespmem:$0x1E400] =	vst v63  }
0x69: {  	_ =	swait.ge @!p1 [sflag:s0], $0x1400  }
0x6a: {  	p2 =	slt.u32 s30, $0x14;
	s4 =	sadd.s32 $0xFFFFEC00, s29;
	[sflag:s0] =	ssyncset.done @!p1 $0x0  }
0x6b: {  	s4 =	smov.u32 @p2 s29;
	[sflag:s0] =	ssyncadd.s32 @!p1 $0xFFFFEC00  }
0x6c: {  	[tilespmem:s12], [sflag:$0x1] =	stream.indirect.gather [hbm4b:s1+s18], $0x80, s4, s18, $0xb8;
	[tilespmem:$0x1E400] =	vst v63  }
0x6d: {  	s0 =	sor.u32 $0x80, s4  }
0x6e: {  	[tilespmem:s19], [sflag:$0x2] =	stream.indirect.gather [hbm4b:s1+s18], $0x80, s0, s18, $0xb8;
	[tilespmem:$0x1E400] =	vst v63  }
0x6f: {  	_ =	swait.ge [sflag:s25], $0x4000  }
0x70: {  	[sflag:s25] =	ssyncset.done $0x0  }
.Ltmp1:
0x71: {  	s0 =	sadd.s32 $0x1400, s4;
	[sflag:s25] =	ssyncadd.s32 $0xFFFFC000;
	(pc) =	sbr.rel @p0 .LBB2_4-.Ltmp1, $4  }
0x72: {  	[spmem:s2] =	stream.indirect.scatter.add.f32 [tilespmem:s12], [sflag:$0x3], $0x80, s0, s18, $0xb8;
	[tilespmem:$0x1E400] =	vst v63  }
0x73: {  	_ =	swait.ge [sflag:s20], $0x4000  }
0x74: {  	[sflag:s20] =	ssyncset.done $0x0  }
0x75: {  	s29 =	sadd.s32 $0x100, s29;
	s30 =	sadd.s32 $0x1480, s4;
	[sflag:s20] =	ssyncadd.s32 $0xFFFFC000  }
0x76: {  	[spmem:s2] =	stream.indirect.scatter.add.f32 [tilespmem:s19], [sflag:$0x4], $0x80, s30, s18, $0xb8;
	[tilespmem:$0x1E400] =	vst v63  }
0x77: {  	_ =	swait.ge [sflag:s22], $0x4000  }
0x78: {  	[sflag:s22] =	ssyncset.done $0x0  }
0x79: {  	[sflag:s22] =	ssyncadd.s32 $0xFFFFC000  }
0x7a: {  	s0 =	stileid.u32;
	_ =	swait.ge [sflag:s23], $0x4000  }
0x7b: {  	s4 =	sshrl.u32 s5, $0x3;
	s26 =	sadd.s32 $0x1, s26;
	[sflag:s23] =	ssyncset.done $0x0  }
0x7c: {  	s0 =	sshll.u32 s0, $0x6;
	p0 =	sne.s32 s26, s11;
	[sflag:s23] =	ssyncadd.s32 $0xFFFFC000  }
.Ltmp2:
0x7d: {  	s0 =	sor.u32 $0x1C05, s0;
	[bflag:$0x0] =	sbarrier.arrive $0xFFFF;
	(pc) =	sbr.rel @p0 .LBB2_1-.Ltmp2, $4  }
0x7e: {  	[hbm:s24], [sflag:s0] =	dma.local [spmem:s4], $0x2780  }
0x7f: {  	_ =	swait.ge [sflag:s13], $0x2780  }
0x80: {  	[sflag:s13] =	ssyncset.done $0x0  }
0x81: {  	[sflag:s13] =	ssyncadd.s32 $0xFFFFD880  }
0x82: {  	_ =	sfence.sel $0x180000  }
0x83: {  	[bflag:$0x0] =	sbarrier.arrive $0xFFFF  }
0x84: {  	_ =	strace $0x90000047  }
0x85: {  	s0 =	stileid.u32;
	[bflag:$0x2] =	sbarrier.arrive $0xFFFF  }
0x86: {  	p0 =	sne.s32 s0, $0x0;
	s0 =	rddreg [dreg:$0x4]  }
0x87: {  	s0 =	sadd.s32 @!p0 $0x100000, s0  }
0x88: {  	[sflag:s0] =	ssyncadd.tile.s32 @!p0 $0x1;
	_ =	shalt  }
.Lfunc_end2:
_tile_overlayer_lowered:
.L_overlay_start_2:
0x89: {  	(tag) =	ssettag $0x2  }
0x8a: {  	s0 =	rddreg [dreg:$0x0];
	s2 =	stileid.u32  }
0x8b: {  	s1 =	rddreg [dreg:$0x1];
	p0 =	sne.s32 s2, $0x0  }
0x8c: {  	s3 =	rddreg [dreg:$0x2];
	[bflag:$0x3] =	sbarrier.arrive $0xFFFF;
	s2 =	simm.s32 @!p0 $0x1C05  }
0x8d: {  	[timem:s3], [sflag:s2] =	dma.local @!p0 [hbm:s0], s1  }
0x8e: {  	s0 =	simm.s32 @!p0 $0x5  }
0x8f: {  	_ =	swait.ge @!p0 [sflag:s0], s1  }
0x90: {  	s1 =	ssub.s32 @!p0 $0x0, s1;
	[sflag:s0] =	ssyncset.done @!p0 $0x0  }
0x91: {  	[sflag:s0] =	ssyncadd.s32 @!p0 s1  }
0x92: {  	[bflag:$0x3] =	sbarrier.arrive $0xFFFF  }
0x93: {  	_ =	shalt  }

</sc_bundles>
